<compile_context>
chip_gen: v7x
topology: tpu7x:2x2x1
jax: 0.10.2.dev20260603
libtpu: 0.0.44.dev20260713+nightly
codegen_flags: <defaults>
</compile_context>

<pallas_src>
import functools

import jax
import jax.numpy as jnp
from jax import lax
from jax.experimental import pallas as pl
from jax.experimental.pallas import tpu as pltpu
from jax.experimental.pallas import tpu_sc as plsc

_B = 4
_G = 200
_G2 = 256
_N = 121
_C = 3
_P = 224 * 224
_PB = 3584
_NB = _P // _PB
_K = 8


def _sc_gather(table, idx, total_rows, rows_per_worker):
    info = plsc.get_sparse_core_info()
    nc, ns = info.num_cores, info.num_subcores
    mesh = plsc.VectorSubcoreMesh(core_axis_name="c", subcore_axis_name="s")

    @functools.partial(
        pl.kernel,
        mesh=mesh,
        out_type=jax.ShapeDtypeStruct((total_rows, 128), jnp.float32),
        scratch_types=[
            pltpu.VMEM((rows_per_worker,), jnp.int32),
            pltpu.VMEM((rows_per_worker, 128), jnp.float32),
            pltpu.SemaphoreType.DMA,
        ],
    )
    def k(table_hbm, idx_hbm, out_hbm, idx_v, rows_v, sem):
        wid = lax.axis_index("s") * nc + lax.axis_index("c")
        base = wid * rows_per_worker
        pltpu.sync_copy(idx_hbm.at[pl.ds(base, rows_per_worker)], idx_v)
        pltpu.async_copy(table_hbm.at[idx_v], rows_v, sem).wait()
        pltpu.sync_copy(rows_v, out_hbm.at[pl.ds(base, rows_per_worker)])

    return k(table, idx)


def _gather_lat(t8_ref, gp_ref, lat_scr):
    gp = gp_ref[0]
    gph = gp.astype(jnp.bfloat16)
    r1 = gp - gph.astype(jnp.float32)
    gpm = r1.astype(jnp.bfloat16)
    gpl = (r1 - gpm.astype(jnp.float32)).astype(jnp.bfloat16)
    bmat = jnp.concatenate(
        [gph, gpm, gpl, jnp.zeros((128, 2), jnp.bfloat16)], axis=1)
    n_iota = lax.broadcasted_iota(jnp.int32, (1, 128), 1)
    for v in range(3):
        tv = t8_ref[0][:, v:v + 1]
        oh = (tv == n_iota).astype(jnp.bfloat16)
        cv = lax.dot_general(
            oh, bmat, (((1,), (0,)), ((), ())),
            preferred_element_type=jnp.float32)
        lat_scr[:, 2 * v:2 * v + 1] = cv[:, 0:1] + cv[:, 2:3] + cv[:, 4:5]
        lat_scr[:, 2 * v + 1:2 * v + 2] = cv[:, 1:2] + cv[:, 3:4] + cv[:, 5:6]


def _body(scal_ref, t8_ref, gp_ref, am_ref, pos_ref, fea_ref,
          cond_ref, recon_ref, stats_ref, av_ref, lat_scr, seg_scr):
    i = pl.program_id(1)

    @pl.when(i == 0)
    def _():
        _gather_lat(t8_ref, gp_ref, lat_scr)

    lat = lat_scr[...]
    x0, y0 = lat[:, 0:1], lat[:, 1:2]
    x1, y1 = lat[:, 2:3], lat[:, 3:4]
    x2, y2 = lat[:, 4:5], lat[:, 5:6]
    qx = pos_ref[0:1, :]
    qy = pos_ref[1:2, :]
    fea = fea_ref[0]
    s_iota = lax.broadcasted_iota(jnp.int32, (_G2, 1), 0)

    @pl.when(i < _NB)
    def _():
        xmin = jnp.minimum(jnp.minimum(x0, x1), x2)
        xmax = jnp.maximum(jnp.maximum(x0, x1), x2)
        ymin = jnp.minimum(jnp.minimum(y0, y1), y2)
        ymax = jnp.maximum(jnp.maximum(y0, y1), y2)
        inside = (qx >= xmin) & (qx <= xmax) & (qy >= ymin) & (qy <= ymax)
        g_f = s_iota.astype(jnp.float32)
        candf = jnp.where(inside, g_f, float(_G2))
        condf = jnp.min(candf, axis=0, keepdims=True)
        condf = jnp.where(condf == float(_G2), 0.0, condf)
        cond_ref[0, 0] = condf.astype(jnp.int32)

        onehot = (g_f == condf).astype(jnp.bfloat16)
        f_hi = fea.astype(jnp.bfloat16)
        f_lo = (fea - f_hi.astype(jnp.float32)).astype(jnp.bfloat16)
        vals16 = jnp.concatenate(
            [f_hi, jnp.ones((_PB, 1), jnp.bfloat16),
             jnp.zeros((_PB, 4), jnp.bfloat16),
             f_lo, jnp.zeros((_PB, 5), jnp.bfloat16)], axis=1)
        c16 = lax.dot_general(
            onehot, vals16, (((1,), (0,)), ((), ())),
            preferred_element_type=jnp.float32,
        )
        contrib = jnp.concatenate(
            [c16[:, 0:4] + c16[:, 8:12], jnp.zeros((_G2, 4), jnp.float32)],
            axis=1)

        @pl.when(i == 0)
        def _():
            seg_scr[...] = contrib

        @pl.when(i > 0)
        def _():
            seg_scr[...] += contrib

    @pl.when(i >= _NB)
    def _():
        neg_inv_sigma = scal_ref[0]
        cx = (x0 + x1 + x2) / 3.0
        cy = (y0 + y1 + y2) / 3.0
        cx = jnp.where(s_iota < _G, cx, 1e9)

        seg = seg_scr[...]
        cnt = jnp.maximum(seg[:, 3:4], 1.0)
        gf = seg[:, 0:3] / cnt
        g2m = jnp.sum(gf * gf, axis=1, keepdims=True) * (1.0 / _C)
        gfe = jnp.concatenate(
            [gf, g2m, jnp.ones((_G2, 1), jnp.float32),
             jnp.zeros((_G2, 3), jnp.float32)], axis=1)

        dx = qx - cx
        dy = qy - cy
        d2 = dx * dx + dy * dy
        logits = jnp.minimum(d2 * neg_inv_sigma, -1e-30)

        lb = lax.bitcast_convert_type(logits, jnp.int32)
        keyi = (~lb & jnp.int32(-256)) | (jnp.int32(255) - s_iota)
        key = lax.bitcast_convert_type(keyi, jnp.float32)
        m0k = jnp.max(key, axis=0, keepdims=True)
        for k in range(_K):
            mk = m0k if k == 0 else jnp.max(key, axis=0, keepdims=True)
            key = jnp.where(key == mk, 0.0, key)
        selm = key == 0.0
        lprime = lax.bitcast_convert_type(lb & jnp.int32(-256), jnp.float32)
        m0i = lax.bitcast_convert_type(m0k, jnp.int32)
        m0p = lax.bitcast_convert_type(~m0i & jnp.int32(-256), jnp.float32)
        wb = jnp.where(selm, jnp.exp(lprime - m0p), 0.0).astype(jnp.bfloat16)

        g_hi = gfe.astype(jnp.bfloat16)
        g_lo = (gfe - g_hi.astype(jnp.float32)).astype(jnp.bfloat16)
        gpack = jnp.concatenate([g_hi, g_lo], axis=1)
        r16 = lax.dot_general(
            wb, gpack, (((0,), (0,)), ((), ())),
            preferred_element_type=jnp.float32,
        )
        r4 = r16[:, 0:8] + r16[:, 8:16]
        r4 = r4 / r4[:, 4:5]
        recon = r4[:, 0:3]
        recon_ref[0, 0] = recon

        fea2m = jnp.sum(fea * fea, axis=1, keepdims=True) * (1.0 / _C)
        dotfr = jnp.sum(fea * recon, axis=1, keepdims=True)
        varp = fea2m - (2.0 / _C) * dotfr + r4[:, 3:4]
        lossp = jnp.sum(jnp.abs(recon - fea), axis=1, keepdims=True)
        part = jnp.concatenate(
            [varp, lossp, jnp.zeros((_PB, 6), jnp.float32)], axis=1)

        @pl.when(i == _NB)
        def _():
            stats_ref[0] = part

        @pl.when(i > _NB)
        def _():
            stats_ref[0] += part

        @pl.when(i == _NB)
        def _():
            am = am_ref[0]
            ax, ay = 20.0 * x0, 20.0 * y0
            bx, by = 20.0 * x1, 20.0 * y1
            cx2, cy2 = 20.0 * x2, 20.0 * y2
            area1 = (ay + by) * (bx - ax) * 0.5
            area2 = (by + cy2) * (cx2 - bx) * 0.5
            area3 = (cy2 + ay) * (ax - cx2) * 0.5
            area = (area1 + area2 + area3) * am
            lane_valid = s_iota < _G
            area = jnp.where(lane_valid, area, 0.0)
            mean = jnp.sum(area) / _G
            dev = jnp.where(lane_valid, area - mean, 0.0)
            av_ref[...] = jnp.broadcast_to(
                jnp.sum(dev * dev) / (_G - 1), (1, 1, 1))


def kernel(grid_pos, img_fea, base_triangle2point, base_area_mask,
           base_triangle_mask, grid_size, output_pos):
    del base_triangle_mask
    B, N = grid_pos.shape[0], grid_pos.shape[1]
    G = base_triangle2point.shape[1]

    table = jnp.pad(grid_pos.reshape(B * N, 2), ((0, 0), (0, 126)))
    idx = (base_triangle2point.reshape(B, G * 3)
           + (jnp.arange(B, dtype=jnp.int32) * N)[:, None]).reshape(-1)
    total = B * G * 3
    total_pad = 2560
    idx = jnp.pad(idx, (0, total_pad - total))
    rows = _sc_gather(table, idx, total_pad, total_pad // 32)
    lattice = rows[:total, :2].reshape(B, G, 3, 2)

    t8 = jnp.pad(base_triangle2point, ((0, 0), (0, _G2 - G), (0, 1)),
                 constant_values=127)
    gp2 = jnp.pad(grid_pos, ((0, 0), (0, 128 - N), (0, 0)))
    am_col = jnp.pad(base_area_mask, ((0, 0), (0, _G2 - G)))[:, :, None]

    pos_t = output_pos.reshape(_P, 2).T
    fea = img_fea.reshape(B, _P, _C)

    max_grid = jnp.maximum(grid_size[0] - 1, grid_size[1] - 1).astype(jnp.float32)
    neg_inv_sigma = jnp.reshape(-max_grid / 0.02, (1,))

    cond4, recon4, stats, av = pl.pallas_call(
        _body,
        grid=(B, 2 * _NB),
        in_specs=[
            pl.BlockSpec(memory_space=pltpu.SMEM),
            pl.BlockSpec((1, _G2, 4), lambda b, i: (b, 0, 0)),
            pl.BlockSpec((1, 128, 2), lambda b, i: (b, 0, 0)),
            pl.BlockSpec((1, _G2, 1), lambda b, i: (b, 0, 0)),
            pl.BlockSpec((2, _PB), lambda b, i: (0, i % _NB)),
            pl.BlockSpec((1, _PB, _C), lambda b, i: (b, i % _NB, 0)),
        ],
        out_specs=[
            pl.BlockSpec((1, 1, 1, _PB),
                         lambda b, i: (b, jnp.minimum(i, _NB), 0, 0)),
            pl.BlockSpec((1, 1, _PB, _C),
                         lambda b, i: (b, jnp.where(i < _NB, _NB, i - _NB),
                                       0, 0)),
            pl.BlockSpec((1, _PB, 8), lambda b, i: (b, 0, 0)),
            pl.BlockSpec((1, 1, 1), lambda b, i: (b, 0, 0)),
        ],
        out_shape=[
            jax.ShapeDtypeStruct((B, _NB + 1, 1, _PB), jnp.int32),
            jax.ShapeDtypeStruct((B, _NB + 1, _PB, _C), jnp.float32),
            jax.ShapeDtypeStruct((B, _PB, 8), jnp.float32),
            jax.ShapeDtypeStruct((B, 1, 1), jnp.float32),
        ],
        scratch_shapes=[
            pltpu.VMEM((_G2, 8), jnp.float32),
            pltpu.VMEM((_G2, 8), jnp.float32),
        ],
        compiler_params=pltpu.CompilerParams(
            dimension_semantics=("arbitrary", "arbitrary"),
        ),
    )(neg_inv_sigma, t8, gp2, am_col, pos_t, fea)

    condition = cond4[:, :_NB].reshape(B, _P, 1)
    variance = jnp.sum(stats[:, :, 0], axis=1) / _P
    reconstruct_loss = jnp.sum(stats[:, :, 1], axis=1) / (_P * _C)
    area_variance = av[:, 0, 0]
    recon_img = recon4[:, :_NB].reshape(B, 224, 224, _C)
    return (condition, lattice, variance, area_variance,
            reconstruct_loss, recon_img)

# --- scband reference (transcript-rebuilt; emitter-appended) ---
"""Pipeline reference for scband-lattice-variance-20220706030023 (READ-ONLY COPY).

The authoritative reference and input builder live on the scoring server;
editing this copy changes nothing except your own understanding.
"""

import jax, jax.numpy as jnp
import numpy as np

OUTPUT_ROW = 224
OUTPUT_COLUMN = 224
TOPK = 8


def build_output_pos():
    x = jnp.arange(OUTPUT_COLUMN, dtype=jnp.float32) / OUTPUT_COLUMN + 0.5 / OUTPUT_COLUMN
    y = jnp.arange(OUTPUT_ROW, dtype=jnp.float32) / OUTPUT_ROW + 0.5 / OUTPUT_ROW
    xx = jnp.tile(x[None, :], (OUTPUT_ROW, 1))
    yy = jnp.tile(y[:, None], (1, OUTPUT_COLUMN))
    return jnp.stack([xx, yy], axis=-1)


def check_condition_f_bbox(lattice, query):
    # lattice: [B, G, 3, 2] triangle vertices; query: [B, P, 2] points
    xmin = lattice[..., 0].min(axis=2)
    xmax = lattice[..., 0].max(axis=2)
    ymin = lattice[..., 1].min(axis=2)
    ymax = lattice[..., 1].max(axis=2)
    qx = query[..., 0][:, :, None]
    qy = query[..., 1][:, :, None]
    inside = (qx >= xmin[:, None, :]) & (qx <= xmax[:, None, :]) & (qy >= ymin[:, None, :]) & (qy <= ymax[:, None, :])
    cond = jnp.argmax(inside, axis=-1).astype(jnp.int32)
    return cond[..., None]


def get_grid_mean_feature(img_fea, condition, grid_num):
    # img_fea: [B, P, C], condition: [B, P] int grid assignment
    onehot = jax.nn.one_hot(condition, grid_num, dtype=img_fea.dtype)
    sums = jnp.einsum('bpg,bpc->bgc', onehot, img_fea)
    counts = onehot.sum(axis=1)
    mean = sums / jnp.clip(counts[..., None], 1.0, None)
    return mean, counts


def line_variance_topk(img_fea, grid_fea, lattice, img_pos, sigma):
    centers = lattice.mean(axis=2)  # [B, G, 2]
    d2 = ((img_pos[:, :, None, :] - centers[:, None, :, :]) ** 2).sum(axis=-1)  # [B, P, G]
    logits = -d2 / sigma[0]
    vals, idx = jax.lax.top_k(logits, TOPK)  # [B, P, K]
    w = jax.nn.softmax(vals, axis=-1)
    gf = jax.vmap(lambda g, i: g[i])(grid_fea, idx)  # [B, P, K, C]
    recon = (w[..., None] * gf).sum(axis=2)  # [B, P, C]
    diff2 = ((img_fea[:, :, None, :] - gf) ** 2).mean(axis=-1)  # [B, P, K]
    var = (w * diff2).sum(axis=-1)  # [B, P]
    return var, recon


def setup_inputs(seed: int = 0):
    key = jax.random.key(seed)
    k1, k2, k3 = jax.random.split(key, 3)
    B, N, G, C = 4, 121, 200, 3
    grid_pos = jax.random.uniform(k1, (B, N, 2), dtype=jnp.float32)
    img_fea = jax.random.uniform(k2, (B, OUTPUT_ROW, OUTPUT_COLUMN, C), dtype=jnp.float32)
    base_triangle2point = jax.random.randint(k3, (B, G, 3), 0, N, dtype=jnp.int32)
    base_area_mask = jnp.ones((B, G), dtype=jnp.float32)
    base_triangle_mask = jnp.ones((B, G), dtype=jnp.float32)
    grid_size = jnp.array([11, 11], dtype=jnp.int32)
    output_pos = build_output_pos()
    return {'grid_pos': grid_pos, 'img_fea': img_fea, 'base_triangle2point': base_triangle2point, 'base_area_mask': base_area_mask, 'base_triangle_mask': base_triangle_mask, 'grid_size': grid_size, 'output_pos': output_pos}


def reference(grid_pos, img_fea, base_triangle2point, base_area_mask, base_triangle_mask, grid_size, output_pos):
    B = grid_pos.shape[0]
    G = base_triangle2point.shape[1]
    # lattice gather: grid_pos[b][base_triangle2point[b]] -> [B, G, 3, 2]
    lattice = jax.vmap(lambda gp, t: gp[t])(grid_pos, base_triangle2point)
    img_pos = jnp.broadcast_to(output_pos[None], (B,) + output_pos.shape).reshape(B, -1, 2)
    condition = check_condition_f_bbox(lattice, img_pos)  # [B, P, 1]
    fea = img_fea.reshape(B, -1, img_fea.shape[-1])
    grid_fea, _ = get_grid_mean_feature(fea, condition[..., 0], G)
    grid_fea = jax.lax.stop_gradient(grid_fea)
    max_grid_size = jnp.maximum(grid_size[0] - 1, grid_size[1] - 1).astype(jnp.float32)
    new_sigma = jnp.reshape(0.001 * 20.0 / max_grid_size, (1,))
    variance_bxp, recon = line_variance_topk(fea, grid_fea, lattice, img_pos, new_sigma)
    # area variance
    scale = jnp.array([20.0, 20.0], dtype=jnp.float32).reshape(1, 1, 1, 2)
    tl = lattice * scale
    A = tl[:, :, 0, :]
    Bv = tl[:, :, 1, :]
    Cv = tl[:, :, 2, :]
    area1 = (A[..., 1] + Bv[..., 1]) * (Bv[..., 0] - A[..., 0]) / 2
    area2 = (Bv[..., 1] + Cv[..., 1]) * (Cv[..., 0] - Bv[..., 0]) / 2
    area3 = (Cv[..., 1] + A[..., 1]) * (A[..., 0] - Cv[..., 0]) / 2
    area = (area1 + area2 + area3).reshape(B, -1) * base_area_mask
    area_variance = jnp.var(area, axis=-1, ddof=1)
    variance = variance_bxp.mean(axis=-1)
    recon_img = recon.reshape(img_fea.shape)
    reconstruct_loss = jnp.abs(recon_img - img_fea).reshape(B, -1).mean(axis=-1)
    return (condition, lattice, variance, area_variance, reconstruct_loss, recon_img)

if __name__ == "__main__":
    import jax
    _d = setup_inputs()
    print(jax.jit(kernel)(*tuple(_d.values())))

</pallas_src>

<mosaic_0001>
#map = affine_map<(d0, d1) -> (0, 0)>
#map1 = affine_map<(d0, d1) -> (0)>
module attributes {stable_mosaic.version = 14 : i64} {
  func.func @k(%arg0: i32, %arg1: i32, %arg2: memref<484x128xf32, #tpu.memory_space<hbm>>, %arg3: memref<2560xi32, #tpu.memory_space<hbm>>, %arg4: memref<2560x128xf32, #tpu.memory_space<hbm>>, %arg5: memref<80xi32, #tpu.memory_space<vmem>>, %arg6: memref<80x128xf32, #tpu.memory_space<vmem>>, %arg7: memref<!tpu.dma_semaphore, #tpu.memory_space<semaphore_mem>>) attributes {dimension_semantics = [#tpu.dimension_semantics<core_parallel>, #tpu.dimension_semantics<subcore_parallel>], iteration_bounds = array<i64: 2, 16>, scalar_prefetch = 0 : i64, scratch_operands = 3 : i64, tpu.core_type = #tpu.core_type<sc_vector_subcore>, window_params = [{transform_indices = #map}, {transform_indices = #map1}, {transform_indices = #map}]} {
    %mul3A = arith.constant 2 : i32
    %mul3A_0 = arith.muli %arg1, %mul3A : i32
    %add3A = arith.addi %mul3A_0, %arg0 : i32
    %mul3A_1 = arith.constant 80 : i32
    %mul3A_2 = arith.muli %add3A, %mul3A_1 : i32
    "tpu.region"() ({
      %run_scoped3A = tpu.sem_alloc : memref<!tpu.dma_semaphore, #tpu.memory_space<semaphore_mem>>
      %dma_start3A_7 = tpu.memref_slice %arg3[%mul3A_2] : memref<2560xi32, #tpu.memory_space<hbm>> -> memref<80xi32, #tpu.memory_space<hbm>>
      %dma_start3A_8 = tpu.memref_slice %arg3[%mul3A_2] : memref<2560xi32, #tpu.memory_space<hbm>> -> memref<80xi32, #tpu.memory_space<hbm>>
      tpu.enqueue_dma source(%dma_start3A_8 : memref<80xi32, #tpu.memory_space<hbm>>) target(%arg5 : memref<80xi32, #tpu.memory_space<vmem>>) target_semaphore(%run_scoped3A : memref<!tpu.dma_semaphore, #tpu.memory_space<semaphore_mem>>)
      %dma_wait3A_9 = tpu.memref_slice %arg3[%mul3A_2] : memref<2560xi32, #tpu.memory_space<hbm>> -> memref<80xi32, #tpu.memory_space<hbm>>
      %dma_wait3A_10 = tpu.memref_slice %arg3[%mul3A_2] : memref<2560xi32, #tpu.memory_space<hbm>> -> memref<80xi32, #tpu.memory_space<hbm>>
      tpu.wait_dma2 semaphore(%run_scoped3A : memref<!tpu.dma_semaphore, #tpu.memory_space<semaphore_mem>>) src(%dma_wait3A_10 : memref<80xi32, #tpu.memory_space<hbm>>) dst(%arg5 : memref<80xi32, #tpu.memory_space<vmem>>)
      tpu.yield
    }) : () -> ()
    %dma_start3A = arith.constant 0 : i32
    %dma_start3A_3 = arith.constant 0 : i32
    %dma_start3A_4 = tpu.memref_slice %arg2[%dma_start3A, %dma_start3A_3] : memref<484x128xf32, #tpu.memory_space<hbm>> -> memref<484x128xf32, #tpu.memory_space<hbm>>
    tpu.enqueue_indirect_dma source(%dma_start3A_4 : memref<484x128xf32, #tpu.memory_space<hbm>>) target(%arg6 : memref<80x128xf32, #tpu.memory_space<vmem>>) offsets(%arg5 : memref<80xi32, #tpu.memory_space<vmem>>) semaphore(%arg7 : memref<!tpu.dma_semaphore, #tpu.memory_space<semaphore_mem>>)
    %dma_wait3A = arith.constant 0 : i32
    %dma_wait3A_5 = arith.constant 0 : i32
    %dma_wait3A_6 = tpu.memref_slice %arg2[%dma_wait3A, %dma_wait3A_5] : memref<484x128xf32, #tpu.memory_space<hbm>> -> memref<484x128xf32, #tpu.memory_space<hbm>>
    tpu.wait_indirect_dma semaphore(%arg7 : memref<!tpu.dma_semaphore, #tpu.memory_space<semaphore_mem>>) src(%dma_wait3A_6 : memref<484x128xf32, #tpu.memory_space<hbm>>) dst(%arg6 : memref<80x128xf32, #tpu.memory_space<vmem>>)
    "tpu.region"() ({
      %run_scoped3A = tpu.sem_alloc : memref<!tpu.dma_semaphore, #tpu.memory_space<semaphore_mem>>
      %dma_start3A_7 = arith.constant 0 : i32
      %dma_start3A_8 = tpu.memref_slice %arg4[%mul3A_2, %dma_start3A_7] : memref<2560x128xf32, #tpu.memory_space<hbm>> -> memref<80x128xf32, #tpu.memory_space<hbm>>
      %dma_start3A_9 = arith.constant 0 : i32
      %dma_start3A_10 = tpu.memref_slice %arg4[%mul3A_2, %dma_start3A_9] : memref<2560x128xf32, #tpu.memory_space<hbm>> -> memref<80x128xf32, #tpu.memory_space<hbm>>
      tpu.enqueue_dma source(%arg6 : memref<80x128xf32, #tpu.memory_space<vmem>>) target(%dma_start3A_10 : memref<80x128xf32, #tpu.memory_space<hbm>>) target_semaphore(%run_scoped3A : memref<!tpu.dma_semaphore, #tpu.memory_space<semaphore_mem>>)
      %dma_wait3A_11 = arith.constant 0 : i32
      %dma_wait3A_12 = tpu.memref_slice %arg4[%mul3A_2, %dma_wait3A_11] : memref<2560x128xf32, #tpu.memory_space<hbm>> -> memref<80x128xf32, #tpu.memory_space<hbm>>
      %dma_wait3A_13 = arith.constant 0 : i32
      %dma_wait3A_14 = tpu.memref_slice %arg4[%mul3A_2, %dma_wait3A_13] : memref<2560x128xf32, #tpu.memory_space<hbm>> -> memref<80x128xf32, #tpu.memory_space<hbm>>
      tpu.wait_dma2 semaphore(%run_scoped3A : memref<!tpu.dma_semaphore, #tpu.memory_space<semaphore_mem>>) src(%arg6 : memref<80x128xf32, #tpu.memory_space<vmem>>) dst(%dma_wait3A_14 : memref<80x128xf32, #tpu.memory_space<hbm>>)
      tpu.yield
    }) : () -> ()
    return
  }
}

module attributes {stable_mosaic.version = 14 : i64} {
  func.func @_body(%arg0: i32, %arg1: i32, %arg2: memref<1xf32, #tpu.memory_space<smem>>, %arg3: memref<1x256x4xi32, #tpu.memory_space<vmem>>, %arg4: memref<1x128x2xf32, #tpu.memory_space<vmem>>, %arg5: memref<1x256x1xf32, #tpu.memory_space<vmem>>, %arg6: memref<2x3584xf32, #tpu.memory_space<vmem>>, %arg7: memref<1x3584x3xf32, #tpu.memory_space<vmem>>, %arg8: memref<1x1x1x3584xi32, #tpu.memory_space<vmem>>, %arg9: memref<1x1x3584x3xf32, #tpu.memory_space<vmem>>, %arg10: memref<1x3584x8xf32, #tpu.memory_space<vmem>>, %arg11: memref<1x1x1xf32, #tpu.memory_space<vmem>>, %arg12: memref<256x8xf32, #tpu.memory_space<vmem>>, %arg13: memref<256x8xf32, #tpu.memory_space<vmem>>) attributes {dimension_semantics = [#tpu.dimension_semantics<arbitrary>, #tpu.dimension_semantics<arbitrary>], iteration_bounds = array<i64: 4, 28>, scalar_prefetch = 0 : i64, scratch_operands = 2 : i64, tpu.core_type = #tpu.core_type<tc>, window_params = [{transform_indices = @transform_0, window_bounds = array<i64: 1>}, {transform_indices = @transform_1, window_bounds = array<i64: 1, 256, 4>}, {transform_indices = @transform_2, window_bounds = array<i64: 1, 128, 2>}, {transform_indices = @transform_3, window_bounds = array<i64: 1, 256, 1>}, {transform_indices = @transform_4, window_bounds = array<i64: 2, 3584>}, {transform_indices = @transform_5, window_bounds = array<i64: 1, 3584, 3>}, {transform_indices = @transform_6, window_bounds = array<i64: 1, 1, 1, 3584>}, {transform_indices = @transform_7, window_bounds = array<i64: 1, 1, 3584, 3>}, {transform_indices = @transform_8, window_bounds = array<i64: 1, 3584, 8>}, {transform_indices = @transform_9, window_bounds = array<i64: 1, 1, 1>}]} {
    %eq3A = arith.constant 0 : i32
    %eq3A_0 = arith.cmpi eq, %arg1, %eq3A : i32
    %convert_element_type3A = arith.extui %eq3A_0 : i1 to i32
    %cond3A = arith.constant 0 : i32
    %cond3A_1 = arith.cmpi ne, %convert_element_type3A, %cond3A : i32
    scf.if %cond3A_1 {
      %get3A_28 = arith.constant 0 : index
      %get3A_29 = arith.constant 0 : index
      %get3A_30 = arith.constant 0 : index
      %get3A_31 = vector.load %arg4[%get3A_28, %get3A_29, %get3A_30] : memref<1x128x2xf32, #tpu.memory_space<vmem>>, vector<1x128x2xf32>
      %get3A_32 = vector.shape_cast %get3A_31 : vector<1x128x2xf32> to vector<128x2xf32>
      %convert_element_type3A_33 = arith.truncf %get3A_32 : vector<128x2xf32> to vector<128x2xbf16>
      %convert_element_type3A_34 = arith.extf %convert_element_type3A_33 : vector<128x2xbf16> to vector<128x2xf32>
      %sub3A = arith.subf %get3A_32, %convert_element_type3A_34 : vector<128x2xf32>
      %convert_element_type3A_35 = arith.truncf %sub3A : vector<128x2xf32> to vector<128x2xbf16>
      %convert_element_type3A_36 = arith.extf %convert_element_type3A_35 : vector<128x2xbf16> to vector<128x2xf32>
      %sub3A_37 = arith.subf %sub3A, %convert_element_type3A_36 : vector<128x2xf32>
      %convert_element_type3A_38 = arith.truncf %sub3A_37 : vector<128x2xf32> to vector<128x2xbf16>
      %broadcast_in_dim3A = arith.constant 0.000000e+00 : bf16
      %broadcast_in_dim3A_39 = vector.broadcast %broadcast_in_dim3A : bf16 to vector<128x2xbf16>
      %concatenate3A = tpu.concatenate %convert_element_type3A_33, %convert_element_type3A_35, %convert_element_type3A_38, %broadcast_in_dim3A_39 in 1 : vector<128x2xbf16>, vector<128x2xbf16>, vector<128x2xbf16>, vector<128x2xbf16> -> vector<128x8xbf16>
      %iota3A_40 = tpu.iota {dimensions = array<i32: 1>} : vector<1x128xi32>
      %get3A_41 = arith.constant 0 : index
      %get3A_42 = arith.constant 0 : index
      %get3A_43 = arith.constant 0 : index
      %get3A_44 = vector.load %arg3[%get3A_41, %get3A_42, %get3A_43] : memref<1x256x4xi32, #tpu.memory_space<vmem>>, vector<1x256x4xi32>
      %get3A_45 = vector.shape_cast %get3A_44 : vector<1x256x4xi32> to vector<256x4xi32>
      %slice3A_46 = vector.extract_strided_slice %get3A_45 {offsets = [0, 0], sizes = [256, 1], strides = [1, 1]} : vector<256x4xi32> to vector<256x1xi32>
      %eq3A_47 = vector.broadcast %slice3A_46 : vector<256x1xi32> to vector<256x128xi32>
      %eq3A_48 = vector.broadcast %iota3A_40 : vector<1x128xi32> to vector<256x128xi32>
      %eq3A_49 = arith.cmpi eq, %eq3A_47, %eq3A_48 : vector<256x128xi32>
      %convert_element_type3A_50 = arith.extui %eq3A_49 : vector<256x128xi1> to vector<256x128xi32>
      %convert_element_type3A_51 = arith.sitofp %convert_element_type3A_50 : vector<256x128xi32> to vector<256x128xf32>
      %convert_element_type3A_52 = arith.truncf %convert_element_type3A_51 : vector<256x128xf32> to vector<256x128xbf16>
      %dot_general3A = arith.constant dense<0.000000e+00> : vector<256x8xf32>
      %dot_general3A_53 = tpu.matmul %convert_element_type3A_52, %concatenate3A, %dot_general3A {dimension_numbers = #tpu.dot_dimension_numbers<[1], [0], [0], [1], [0, 0, 1, 1], [], []>, transpose_lhs_hint = false} : vector<256x128xbf16>, vector<128x8xbf16>, vector<256x8xf32> -> vector<256x8xf32>
      %slice3A_54 = vector.extract_strided_slice %dot_general3A_53 {offsets = [0, 0], sizes = [256, 1], strides = [1, 1]} : vector<256x8xf32> to vector<256x1xf32>
      %slice3A_55 = vector.extract_strided_slice %dot_general3A_53 {offsets = [0, 2], sizes = [256, 1], strides = [1, 1]} : vector<256x8xf32> to vector<256x1xf32>
      %add3A = arith.addf %slice3A_54, %slice3A_55 : vector<256x1xf32>
      %slice3A_56 = vector.extract_strided_slice %dot_general3A_53 {offsets = [0, 4], sizes = [256, 1], strides = [1, 1]} : vector<256x8xf32> to vector<256x1xf32>
      %add3A_57 = arith.addf %add3A, %slice3A_56 : vector<256x1xf32>
      %swap3A = arith.constant 0 : index
      %swap3A_58 = arith.constant 0 : index
      %swap3A_59 = vector.load %arg12[%swap3A, %swap3A_58] : memref<256x8xf32, #tpu.memory_space<vmem>>, vector<256x1xf32>
      tpu.vector_store %arg12[%swap3A, %swap3A_58], %add3A_57 {strides = array<i32>} : memref<256x8xf32, #tpu.memory_space<vmem>>, vector<256x1xf32>,
      %slice3A_60 = vector.extract_strided_slice %dot_general3A_53 {offsets = [0, 1], sizes = [256, 1], strides = [1, 1]} : vector<256x8xf32> to vector<256x1xf32>
      %slice3A_61 = vector.extract_strided_slice %dot_general3A_53 {offsets = [0, 3], sizes = [256, 1], strides = [1, 1]} : vector<256x8xf32> to vector<256x1xf32>
      %add3A_62 = arith.addf %slice3A_60, %slice3A_61 : vector<256x1xf32>
      %slice3A_63 = vector.extract_strided_slice %dot_general3A_53 {offsets = [0, 5], sizes = [256, 1], strides = [1, 1]} : vector<256x8xf32> to vector<256x1xf32>
      %add3A_64 = arith.addf %add3A_62, %slice3A_63 : vector<256x1xf32>
      %swap3A_65 = arith.constant 0 : index
      %swap3A_66 = arith.constant 1 : index
      %swap3A_67 = vector.load %arg12[%swap3A_65, %swap3A_66] : memref<256x8xf32, #tpu.memory_space<vmem>>, vector<256x1xf32>
      tpu.vector_store %arg12[%swap3A_65, %swap3A_66], %add3A_64 {strides = array<i32>} : memref<256x8xf32, #tpu.memory_space<vmem>>, vector<256x1xf32>,
      %get3A_68 = arith.constant 0 : index
      %get3A_69 = arith.constant 0 : index
      %get3A_70 = arith.constant 0 : index
      %get3A_71 = vector.load %arg3[%get3A_68, %get3A_69, %get3A_70] : memref<1x256x4xi32, #tpu.memory_space<vmem>>, vector<1x256x4xi32>
      %get3A_72 = vector.shape_cast %get3A_71 : vector<1x256x4xi32> to vector<256x4xi32>
      %slice3A_73 = vector.extract_strided_slice %get3A_72 {offsets = [0, 1], sizes = [256, 1], strides = [1, 1]} : vector<256x4xi32> to vector<256x1xi32>
      %eq3A_74 = vector.broadcast %slice3A_73 : vector<256x1xi32> to vector<256x128xi32>
      %eq3A_75 = vector.broadcast %iota3A_40 : vector<1x128xi32> to vector<256x128xi32>
      %eq3A_76 = arith.cmpi eq, %eq3A_74, %eq3A_75 : vector<256x128xi32>
      %convert_element_type3A_77 = arith.extui %eq3A_76 : vector<256x128xi1> to vector<256x128xi32>
      %convert_element_type3A_78 = arith.sitofp %convert_element_type3A_77 : vector<256x128xi32> to vector<256x128xf32>
      %convert_element_type3A_79 = arith.truncf %convert_element_type3A_78 : vector<256x128xf32> to vector<256x128xbf16>
      %dot_general3A_80 = arith.constant dense<0.000000e+00> : vector<256x8xf32>
      %dot_general3A_81 = tpu.matmul %convert_element_type3A_79, %concatenate3A, %dot_general3A_80 {dimension_numbers = #tpu.dot_dimension_numbers<[1], [0], [0], [1], [0, 0, 1, 1], [], []>, transpose_lhs_hint = false} : vector<256x128xbf16>, vector<128x8xbf16>, vector<256x8xf32> -> vector<256x8xf32>
      %slice3A_82 = vector.extract_strided_slice %dot_general3A_81 {offsets = [0, 0], sizes = [256, 1], strides = [1, 1]} : vector<256x8xf32> to vector<256x1xf32>
      %slice3A_83 = vector.extract_strided_slice %dot_general3A_81 {offsets = [0, 2], sizes = [256, 1], strides = [1, 1]} : vector<256x8xf32> to vector<256x1xf32>
      %add3A_84 = arith.addf %slice3A_82, %slice3A_83 : vector<256x1xf32>
      %slice3A_85 = vector.extract_strided_slice %dot_general3A_81 {offsets = [0, 4], sizes = [256, 1], strides = [1, 1]} : vector<256x8xf32> to vector<256x1xf32>
      %add3A_86 = arith.addf %add3A_84, %slice3A_85 : vector<256x1xf32>
      %swap3A_87 = arith.constant 0 : index
      %swap3A_88 = arith.constant 2 : index
      %swap3A_89 = vector.load %arg12[%swap3A_87, %swap3A_88] : memref<256x8xf32, #tpu.memory_space<vmem>>, vector<256x1xf32>
      tpu.vector_store %arg12[%swap3A_87, %swap3A_88], %add3A_86 {strides = array<i32>} : memref<256x8xf32, #tpu.memory_space<vmem>>, vector<256x1xf32>,
      %slice3A_90 = vector.extract_strided_slice %dot_general3A_81 {offsets = [0, 1], sizes = [256, 1], strides = [1, 1]} : vector<256x8xf32> to vector<256x1xf32>
      %slice3A_91 = vector.extract_strided_slice %dot_general3A_81 {offsets = [0, 3], sizes = [256, 1], strides = [1, 1]} : vector<256x8xf32> to vector<256x1xf32>
      %add3A_92 = arith.addf %slice3A_90, %slice3A_91 : vector<256x1xf32>
      %slice3A_93 = vector.extract_strided_slice %dot_general3A_81 {offsets = [0, 5], sizes = [256, 1], strides = [1, 1]} : vector<256x8xf32> to vector<256x1xf32>
      %add3A_94 = arith.addf %add3A_92, %slice3A_93 : vector<256x1xf32>
      %swap3A_95 = arith.constant 0 : index
      %swap3A_96 = arith.constant 3 : index
      %swap3A_97 = vector.load %arg12[%swap3A_95, %swap3A_96] : memref<256x8xf32, #tpu.memory_space<vmem>>, vector<256x1xf32>
      tpu.vector_store %arg12[%swap3A_95, %swap3A_96], %add3A_94 {strides = array<i32>} : memref<256x8xf32, #tpu.memory_space<vmem>>, vector<256x1xf32>,
      %get3A_98 = arith.constant 0 : index
      %get3A_99 = arith.constant 0 : index
      %get3A_100 = arith.constant 0 : index
      %get3A_101 = vector.load %arg3[%get3A_98, %get3A_99, %get3A_100] : memref<1x256x4xi32, #tpu.memory_space<vmem>>, vector<1x256x4xi32>
      %get3A_102 = vector.shape_cast %get3A_101 : vector<1x256x4xi32> to vector<256x4xi32>
      %slice3A_103 = vector.extract_strided_slice %get3A_102 {offsets = [0, 2], sizes = [256, 1], strides = [1, 1]} : vector<256x4xi32> to vector<256x1xi32>
      %eq3A_104 = vector.broadcast %slice3A_103 : vector<256x1xi32> to vector<256x128xi32>
      %eq3A_105 = vector.broadcast %iota3A_40 : vector<1x128xi32> to vector<256x128xi32>
      %eq3A_106 = arith.cmpi eq, %eq3A_104, %eq3A_105 : vector<256x128xi32>
      %convert_element_type3A_107 = arith.extui %eq3A_106 : vector<256x128xi1> to vector<256x128xi32>
      %convert_element_type3A_108 = arith.sitofp %convert_element_type3A_107 : vector<256x128xi32> to vector<256x128xf32>
      %convert_element_type3A_109 = arith.truncf %convert_element_type3A_108 : vector<256x128xf32> to vector<256x128xbf16>
      %dot_general3A_110 = arith.constant dense<0.000000e+00> : vector<256x8xf32>
      %dot_general3A_111 = tpu.matmul %convert_element_type3A_109, %concatenate3A, %dot_general3A_110 {dimension_numbers = #tpu.dot_dimension_numbers<[1], [0], [0], [1], [0, 0, 1, 1], [], []>, transpose_lhs_hint = false} : vector<256x128xbf16>, vector<128x8xbf16>, vector<256x8xf32> -> vector<256x8xf32>
      %slice3A_112 = vector.extract_strided_slice %dot_general3A_111 {offsets = [0, 0], sizes = [256, 1], strides = [1, 1]} : vector<256x8xf32> to vector<256x1xf32>
      %slice3A_113 = vector.extract_strided_slice %dot_general3A_111 {offsets = [0, 2], sizes = [256, 1], strides = [1, 1]} : vector<256x8xf32> to vector<256x1xf32>
      %add3A_114 = arith.addf %slice3A_112, %slice3A_113 : vector<256x1xf32>
      %slice3A_115 = vector.extract_strided_slice %dot_general3A_111 {offsets = [0, 4], sizes = [256, 1], strides = [1, 1]} : vector<256x8xf32> to vector<256x1xf32>
      %add3A_116 = arith.addf %add3A_114, %slice3A_115 : vector<256x1xf32>
      %swap3A_117 = arith.constant 0 : index
      %swap3A_118 = arith.constant 4 : index
      %swap3A_119 = vector.load %arg12[%swap3A_117, %swap3A_118] : memref<256x8xf32, #tpu.memory_space<vmem>>, vector<256x1xf32>
      tpu.vector_store %arg12[%swap3A_117, %swap3A_118], %add3A_116 {strides = array<i32>} : memref<256x8xf32, #tpu.memory_space<vmem>>, vector<256x1xf32>,
      %slice3A_120 = vector.extract_strided_slice %dot_general3A_111 {offsets = [0, 1], sizes = [256, 1], strides = [1, 1]} : vector<256x8xf32> to vector<256x1xf32>
      %slice3A_121 = vector.extract_strided_slice %dot_general3A_111 {offsets = [0, 3], sizes = [256, 1], strides = [1, 1]} : vector<256x8xf32> to vector<256x1xf32>
      %add3A_122 = arith.addf %slice3A_120, %slice3A_121 : vector<256x1xf32>
      %slice3A_123 = vector.extract_strided_slice %dot_general3A_111 {offsets = [0, 5], sizes = [256, 1], strides = [1, 1]} : vector<256x8xf32> to vector<256x1xf32>
      %add3A_124 = arith.addf %add3A_122, %slice3A_123 : vector<256x1xf32>
      %swap3A_125 = arith.constant 0 : index
      %swap3A_126 = arith.constant 5 : index
      %swap3A_127 = vector.load %arg12[%swap3A_125, %swap3A_126] : memref<256x8xf32, #tpu.memory_space<vmem>>, vector<256x1xf32>
      tpu.vector_store %arg12[%swap3A_125, %swap3A_126], %add3A_124 {strides = array<i32>} : memref<256x8xf32, #tpu.memory_space<vmem>>, vector<256x1xf32>,
    } else {
    }
    %get3A = arith.constant 0 : index
    %get3A_2 = arith.constant 0 : index
    %get3A_3 = vector.load %arg12[%get3A, %get3A_2] : memref<256x8xf32, #tpu.memory_space<vmem>>, vector<256x8xf32>
    %slice3A = vector.extract_strided_slice %get3A_3 {offsets = [0, 0], sizes = [256, 1], strides = [1, 1]} : vector<256x8xf32> to vector<256x1xf32>
    %slice3A_4 = vector.extract_strided_slice %get3A_3 {offsets = [0, 1], sizes = [256, 1], strides = [1, 1]} : vector<256x8xf32> to vector<256x1xf32>
    %slice3A_5 = vector.extract_strided_slice %get3A_3 {offsets = [0, 2], sizes = [256, 1], strides = [1, 1]} : vector<256x8xf32> to vector<256x1xf32>
    %slice3A_6 = vector.extract_strided_slice %get3A_3 {offsets = [0, 3], sizes = [256, 1], strides = [1, 1]} : vector<256x8xf32> to vector<256x1xf32>
    %slice3A_7 = vector.extract_strided_slice %get3A_3 {offsets = [0, 4], sizes = [256, 1], strides = [1, 1]} : vector<256x8xf32> to vector<256x1xf32>
    %slice3A_8 = vector.extract_strided_slice %get3A_3 {offsets = [0, 5], sizes = [256, 1], strides = [1, 1]} : vector<256x8xf32> to vector<256x1xf32>
    %get3A_9 = arith.constant 0 : index
    %get3A_10 = arith.constant 0 : index
    %get3A_11 = vector.load %arg6[%get3A_9, %get3A_10] : memref<2x3584xf32, #tpu.memory_space<vmem>>, vector<1x3584xf32>
    %get3A_12 = arith.constant 1 : index
    %get3A_13 = arith.constant 0 : index
    %get3A_14 = vector.load %arg6[%get3A_12, %get3A_13] : memref<2x3584xf32, #tpu.memory_space<vmem>>, vector<1x3584xf32>
    %get3A_15 = arith.constant 0 : index
    %get3A_16 = arith.constant 0 : index
    %get3A_17 = arith.constant 0 : index
    %get3A_18 = vector.load %arg7[%get3A_15, %get3A_16, %get3A_17] : memref<1x3584x3xf32, #tpu.memory_space<vmem>>, vector<1x3584x3xf32>
    %get3A_19 = vector.shape_cast %get3A_18 : vector<1x3584x3xf32> to vector<3584x3xf32>
    %iota3A = tpu.iota {dimensions = array<i32: 0>} : vector<256x1xi32>
    %lt3A = arith.constant 14 : i32
    %lt3A_20 = arith.cmpi slt, %arg1, %lt3A : i32
    %convert_element_type3A_21 = arith.extui %lt3A_20 : i1 to i32
    %cond3A_22 = arith.constant 0 : i32
    %cond3A_23 = arith.cmpi ne, %convert_element_type3A_21, %cond3A_22 : i32
    scf.if %cond3A_23 {
      %min3A = arith.minimumf %slice3A, %slice3A_5 : vector<256x1xf32>
      %min3A_28 = arith.minimumf %min3A, %slice3A_7 : vector<256x1xf32>
      %max3A = arith.maximumf %slice3A, %slice3A_5 : vector<256x1xf32>
      %max3A_29 = arith.maximumf %max3A, %slice3A_7 : vector<256x1xf32>
      %min3A_30 = arith.minimumf %slice3A_4, %slice3A_6 : vector<256x1xf32>
      %min3A_31 = arith.minimumf %min3A_30, %slice3A_8 : vector<256x1xf32>
      %max3A_32 = arith.maximumf %slice3A_4, %slice3A_6 : vector<256x1xf32>
      %max3A_33 = arith.maximumf %max3A_32, %slice3A_8 : vector<256x1xf32>
      %ge3A_34 = vector.broadcast %get3A_11 : vector<1x3584xf32> to vector<256x3584xf32>
      %ge3A_35 = vector.broadcast %min3A_28 : vector<256x1xf32> to vector<256x3584xf32>
      %ge3A_36 = arith.cmpf oge, %ge3A_34, %ge3A_35 : vector<256x3584xf32>
      %le3A = vector.broadcast %get3A_11 : vector<1x3584xf32> to vector<256x3584xf32>
      %le3A_37 = vector.broadcast %max3A_29 : vector<256x1xf32> to vector<256x3584xf32>
      %le3A_38 = arith.cmpf ole, %le3A, %le3A_37 : vector<256x3584xf32>
      %and3A = arith.andi %ge3A_36, %le3A_38 : vector<256x3584xi1>
      %ge3A_39 = vector.broadcast %get3A_14 : vector<1x3584xf32> to vector<256x3584xf32>
      %ge3A_40 = vector.broadcast %min3A_31 : vector<256x1xf32> to vector<256x3584xf32>
      %ge3A_41 = arith.cmpf oge, %ge3A_39, %ge3A_40 : vector<256x3584xf32>
      %and3A_42 = arith.andi %and3A, %ge3A_41 : vector<256x3584xi1>
      %le3A_43 = vector.broadcast %get3A_14 : vector<1x3584xf32> to vector<256x3584xf32>
      %le3A_44 = vector.broadcast %max3A_33 : vector<256x1xf32> to vector<256x3584xf32>
      %le3A_45 = arith.cmpf ole, %le3A_43, %le3A_44 : vector<256x3584xf32>
      %and3A_46 = arith.andi %and3A_42, %le3A_45 : vector<256x3584xi1>
      %convert_element_type3A_47 = arith.sitofp %iota3A : vector<256x1xi32> to vector<256x1xf32>
      %jit3A = arith.constant 2.560000e+02 : f32
      %broadcast_in_dim3A = vector.shape_cast %convert_element_type3A_47 : vector<256x1xf32> to vector<256x1xf32>
      %broadcast_in_dim3A_48 = vector.broadcast %broadcast_in_dim3A : vector<256x1xf32> to vector<256x3584xf32>
      %broadcast_in_dim3A_49 = vector.broadcast %jit3A : f32 to vector<256x3584xf32>
      %select_n3A = arith.select %and3A_46, %broadcast_in_dim3A_48, %broadcast_in_dim3A_49 : vector<256x3584xi1>, vector<256x3584xf32>
      %reduce_min3A = arith.constant dense<0x7F800000> : vector<3584xf32>
      %reduce_min3A_50 = vector.multi_reduction <minimumf>, %select_n3A, %reduce_min3A [0] : vector<256x3584xf32> to vector<3584xf32>
      %broadcast_in_dim3A_51 = vector.shape_cast %reduce_min3A_50 : vector<3584xf32> to vector<1x3584xf32>
      %eq3A_52 = arith.constant 2.560000e+02 : f32
      %eq3A_53 = vector.broadcast %eq3A_52 : f32 to vector<1x3584xf32>
      %eq3A_54 = arith.cmpf oeq, %broadcast_in_dim3A_51, %eq3A_53 : vector<1x3584xf32>
      %jit3A_55 = arith.constant 0.000000e+00 : f32
      %broadcast_in_dim3A_56 = vector.broadcast %jit3A_55 : f32 to vector<1x3584xf32>
      %select_n3A_57 = arith.select %eq3A_54, %broadcast_in_dim3A_56, %broadcast_in_dim3A_51 : vector<1x3584xi1>, vector<1x3584xf32>
      %convert_element_type3A_58 = arith.fptosi %select_n3A_57 : vector<1x3584xf32> to vector<1x3584xi32>
      %swap3A = arith.constant 0 : index
      %swap3A_59 = arith.constant 0 : index
      %swap3A_60 = arith.constant 0 : index
      %swap3A_61 = arith.constant 0 : index
      %swap3A_62 = vector.load %arg8[%swap3A, %swap3A_59, %swap3A_60, %swap3A_61] : memref<1x1x1x3584xi32, #tpu.memory_space<vmem>>, vector<1x1x1x3584xi32>
      %swap3A_63 = vector.shape_cast %swap3A_62 : vector<1x1x1x3584xi32> to vector<1x3584xi32>
      %swap3A_64 = vector.shape_cast %convert_element_type3A_58 : vector<1x3584xi32> to vector<1x1x1x3584xi32>
      tpu.vector_store %arg8[%swap3A, %swap3A_59, %swap3A_60, %swap3A_61], %swap3A_64 {strides = array<i32>} : memref<1x1x1x3584xi32, #tpu.memory_space<vmem>>, vector<1x1x1x3584xi32>,
      %eq3A_65 = vector.broadcast %convert_element_type3A_47 : vector<256x1xf32> to vector<256x3584xf32>
      %eq3A_66 = vector.broadcast %select_n3A_57 : vector<1x3584xf32> to vector<256x3584xf32>
      %eq3A_67 = arith.cmpf oeq, %eq3A_65, %eq3A_66 : vector<256x3584xf32>
      %convert_element_type3A_68 = arith.extui %eq3A_67 : vector<256x3584xi1> to vector<256x3584xi32>
      %convert_element_type3A_69 = arith.sitofp %convert_element_type3A_68 : vector<256x3584xi32> to vector<256x3584xf32>
      %convert_element_type3A_70 = arith.truncf %convert_element_type3A_69 : vector<256x3584xf32> to vector<256x3584xbf16>
      %convert_element_type3A_71 = arith.truncf %get3A_19 : vector<3584x3xf32> to vector<3584x3xbf16>
      %convert_element_type3A_72 = arith.extf %convert_element_type3A_71 : vector<3584x3xbf16> to vector<3584x3xf32>
      %sub3A = arith.subf %get3A_19, %convert_element_type3A_72 : vector<3584x3xf32>
      %convert_element_type3A_73 = arith.truncf %sub3A : vector<3584x3xf32> to vector<3584x3xbf16>
      %broadcast_in_dim3A_74 = arith.constant 1.000000e+00 : bf16
      %broadcast_in_dim3A_75 = vector.broadcast %broadcast_in_dim3A_74 : bf16 to vector<3584x1xbf16>
      %broadcast_in_dim3A_76 = arith.constant 0.000000e+00 : bf16
      %broadcast_in_dim3A_77 = vector.broadcast %broadcast_in_dim3A_76 : bf16 to vector<3584x4xbf16>
      %broadcast_in_dim3A_78 = arith.constant 0.000000e+00 : bf16
      %broadcast_in_dim3A_79 = vector.broadcast %broadcast_in_dim3A_78 : bf16 to vector<3584x5xbf16>
      %concatenate3A = tpu.concatenate %convert_element_type3A_71, %broadcast_in_dim3A_75, %broadcast_in_dim3A_77, %convert_element_type3A_73, %broadcast_in_dim3A_79 in 1 : vector<3584x3xbf16>, vector<3584x1xbf16>, vector<3584x4xbf16>, vector<3584x3xbf16>, vector<3584x5xbf16> -> vector<3584x16xbf16>
      %dot_general3A = arith.constant dense<0.000000e+00> : vector<256x16xf32>
      %dot_general3A_80 = tpu.matmul %convert_element_type3A_70, %concatenate3A, %dot_general3A {dimension_numbers = #tpu.dot_dimension_numbers<[1], [0], [0], [1], [0, 0, 1, 1], [], []>, transpose_lhs_hint = false} : vector<256x3584xbf16>, vector<3584x16xbf16>, vector<256x16xf32> -> vector<256x16xf32>
      %slice3A_81 = vector.extract_strided_slice %dot_general3A_80 {offsets = [0, 0], sizes = [256, 4], strides = [1, 1]} : vector<256x16xf32> to vector<256x4xf32>
      %slice3A_82 = vector.extract_strided_slice %dot_general3A_80 {offsets = [0, 8], sizes = [256, 4], strides = [1, 1]} : vector<256x16xf32> to vector<256x4xf32>
      %add3A = arith.addf %slice3A_81, %slice3A_82 : vector<256x4xf32>
      %broadcast_in_dim3A_83 = arith.constant 0.000000e+00 : f32
      %broadcast_in_dim3A_84 = vector.broadcast %broadcast_in_dim3A_83 : f32 to vector<256x4xf32>
      %concatenate3A_85 = tpu.concatenate %add3A, %broadcast_in_dim3A_84 in 1 : vector<256x4xf32>, vector<256x4xf32> -> vector<256x8xf32>
      %eq3A_86 = arith.constant 0 : i32
      %eq3A_87 = arith.cmpi eq, %arg1, %eq3A_86 : i32
      %convert_element_type3A_88 = arith.extui %eq3A_87 : i1 to i32
      %cond3A_89 = arith.constant 0 : i32
      %cond3A_90 = arith.cmpi ne, %convert_element_type3A_88, %cond3A_89 : i32
      scf.if %cond3A_90 {
        %swap3A_95 = arith.constant 0 : index
        %swap3A_96 = arith.constant 0 : index
        %swap3A_97 = vector.load %arg13[%swap3A_95, %swap3A_96] : memref<256x8xf32, #tpu.memory_space<vmem>>, vector<256x8xf32>
        tpu.vector_store %arg13[%swap3A_95, %swap3A_96], %concatenate3A_85 {strides = array<i32>} : memref<256x8xf32, #tpu.memory_space<vmem>>, vector<256x8xf32>,
      } else {
      }
      %gt3A = arith.constant 0 : i32
      %gt3A_91 = arith.cmpi sgt, %arg1, %gt3A : i32
      %convert_element_type3A_92 = arith.extui %gt3A_91 : i1 to i32
      %cond3A_93 = arith.constant 0 : i32
      %cond3A_94 = arith.cmpi ne, %convert_element_type3A_92, %cond3A_93 : i32
      scf.if %cond3A_94 {
        %get3A_95 = arith.constant 0 : index
        %get3A_96 = arith.constant 0 : index
        %get3A_97 = vector.load %arg13[%get3A_95, %get3A_96] : memref<256x8xf32, #tpu.memory_space<vmem>>, vector<256x8xf32>
        %add3A_98 = arith.addf %get3A_97, %concatenate3A_85 : vector<256x8xf32>
        %swap3A_99 = arith.constant 0 : index
        %swap3A_100 = arith.constant 0 : index
        %swap3A_101 = vector.load %arg13[%swap3A_99, %swap3A_100] : memref<256x8xf32, #tpu.memory_space<vmem>>, vector<256x8xf32>
        tpu.vector_store %arg13[%swap3A_99, %swap3A_100], %add3A_98 {strides = array<i32>} : memref<256x8xf32, #tpu.memory_space<vmem>>, vector<256x8xf32>,
      } else {
      }
    } else {
    }
    %ge3A = arith.constant 14 : i32
    %ge3A_24 = arith.cmpi sge, %arg1, %ge3A : i32
    %convert_element_type3A_25 = arith.extui %ge3A_24 : i1 to i32
    %cond3A_26 = arith.constant 0 : i32
    %cond3A_27 = arith.cmpi ne, %convert_element_type3A_25, %cond3A_26 : i32
    scf.if %cond3A_27 {
      %get3A_28 = arith.constant 0 : index
      %get3A_29 = memref.load %arg2[%get3A_28] : memref<1xf32, #tpu.memory_space<smem>>
      %add3A = arith.addf %slice3A, %slice3A_5 : vector<256x1xf32>
      %add3A_30 = arith.addf %add3A, %slice3A_7 : vector<256x1xf32>
      %div3A = arith.constant 3.000000e+00 : f32
      %div3A_31 = vector.broadcast %div3A : f32 to vector<256x1xf32>
      %div3A_32 = arith.divf %add3A_30, %div3A_31 : vector<256x1xf32>
      %add3A_33 = arith.addf %slice3A_4, %slice3A_6 : vector<256x1xf32>
      %add3A_34 = arith.addf %add3A_33, %slice3A_8 : vector<256x1xf32>
      %div3A_35 = arith.constant 3.000000e+00 : f32
      %div3A_36 = vector.broadcast %div3A_35 : f32 to vector<256x1xf32>
      %div3A_37 = arith.divf %add3A_34, %div3A_36 : vector<256x1xf32>
      %lt3A_38 = arith.constant 200 : i32
      %lt3A_39 = vector.broadcast %lt3A_38 : i32 to vector<256x1xi32>
      %lt3A_40 = arith.cmpi slt, %iota3A, %lt3A_39 : vector<256x1xi32>
      %jit3A = arith.constant 1.000000e+09 : f32
      %broadcast_in_dim3A = vector.broadcast %jit3A : f32 to vector<256x1xf32>
      %select_n3A = arith.select %lt3A_40, %div3A_32, %broadcast_in_dim3A : vector<256x1xi1>, vector<256x1xf32>
      %get3A_41 = arith.constant 0 : index
      %get3A_42 = arith.constant 0 : index
      %get3A_43 = vector.load %arg13[%get3A_41, %get3A_42] : memref<256x8xf32, #tpu.memory_space<vmem>>, vector<256x8xf32>
      %slice3A_44 = vector.extract_strided_slice %get3A_43 {offsets = [0, 3], sizes = [256, 1], strides = [1, 1]} : vector<256x8xf32> to vector<256x1xf32>
      %max3A = arith.constant 1.000000e+00 : f32
      %max3A_45 = vector.broadcast %max3A : f32 to vector<256x1xf32>
      %max3A_46 = arith.maximumf %slice3A_44, %max3A_45 : vector<256x1xf32>
      %slice3A_47 = vector.extract_strided_slice %get3A_43 {offsets = [0, 0], sizes = [256, 3], strides = [1, 1]} : vector<256x8xf32> to vector<256x3xf32>
      %div3A_48 = vector.broadcast %max3A_46 : vector<256x1xf32> to vector<256x3xf32>
      %div3A_49 = arith.divf %slice3A_47, %div3A_48 : vector<256x3xf32>
      %mul3A = arith.mulf %div3A_49, %div3A_49 : vector<256x3xf32>
      %reduce_sum3A = arith.constant dense<0.000000e+00> : vector<256xf32>
      %reduce_sum3A_50 = vector.multi_reduction <add>, %mul3A, %reduce_sum3A [1] : vector<256x3xf32> to vector<256xf32>
      %broadcast_in_dim3A_51 = vector.shape_cast %reduce_sum3A_50 : vector<256xf32> to vector<256x1xf32>
      %mul3A_52 = arith.constant 0.333333343 : f32
      %mul3A_53 = vector.broadcast %mul3A_52 : f32 to vector<256x1xf32>
      %mul3A_54 = arith.mulf %broadcast_in_dim3A_51, %mul3A_53 : vector<256x1xf32>
      %broadcast_in_dim3A_55 = arith.constant 1.000000e+00 : f32
      %broadcast_in_dim3A_56 = vector.broadcast %broadcast_in_dim3A_55 : f32 to vector<256x1xf32>
      %broadcast_in_dim3A_57 = arith.constant 0.000000e+00 : f32
      %broadcast_in_dim3A_58 = vector.broadcast %broadcast_in_dim3A_57 : f32 to vector<256x3xf32>
      %concatenate3A = tpu.concatenate %div3A_49, %mul3A_54, %broadcast_in_dim3A_56, %broadcast_in_dim3A_58 in 1 : vector<256x3xf32>, vector<256x1xf32>, vector<256x1xf32>, vector<256x3xf32> -> vector<256x8xf32>
      %sub3A = vector.broadcast %get3A_11 : vector<1x3584xf32> to vector<256x3584xf32>
      %sub3A_59 = vector.broadcast %select_n3A : vector<256x1xf32> to vector<256x3584xf32>
      %sub3A_60 = arith.subf %sub3A, %sub3A_59 : vector<256x3584xf32>
      %sub3A_61 = vector.broadcast %get3A_14 : vector<1x3584xf32> to vector<256x3584xf32>
      %sub3A_62 = vector.broadcast %div3A_37 : vector<256x1xf32> to vector<256x3584xf32>
      %sub3A_63 = arith.subf %sub3A_61, %sub3A_62 : vector<256x3584xf32>
      %mul3A_64 = arith.mulf %sub3A_60, %sub3A_60 : vector<256x3584xf32>
      %mul3A_65 = arith.mulf %sub3A_63, %sub3A_63 : vector<256x3584xf32>
      %add3A_66 = arith.addf %mul3A_64, %mul3A_65 : vector<256x3584xf32>
      %mul3A_67 = vector.broadcast %get3A_29 : f32 to vector<256x3584xf32>
      %mul3A_68 = arith.mulf %add3A_66, %mul3A_67 : vector<256x3584xf32>
      %min3A = arith.constant -1.000000e-30 : f32
      %min3A_69 = vector.broadcast %min3A : f32 to vector<256x3584xf32>
      %min3A_70 = arith.minimumf %mul3A_68, %min3A_69 : vector<256x3584xf32>
      %bitcast_convert_type3A = tpu.bitcast %min3A_70 : vector<256x3584xf32> -> vector<256x3584xi32>
      %not3A = arith.constant dense<-1> : vector<256x3584xi32>
      %not3A_71 = arith.xori %bitcast_convert_type3A, %not3A : vector<256x3584xi32>
      %and3A = arith.constant -256 : i32
      %and3A_72 = vector.broadcast %and3A : i32 to vector<256x3584xi32>
      %and3A_73 = arith.andi %not3A_71, %and3A_72 : vector<256x3584xi32>
      %sub3A_74 = arith.constant 255 : i32
      %sub3A_75 = vector.broadcast %sub3A_74 : i32 to vector<256x1xi32>
      %sub3A_76 = arith.subi %sub3A_75, %iota3A : vector<256x1xi32>
      %or3A = vector.broadcast %sub3A_76 : vector<256x1xi32> to vector<256x3584xi32>
      %or3A_77 = arith.ori %and3A_73, %or3A : vector<256x3584xi32>
      %bitcast_convert_type3A_78 = tpu.bitcast %or3A_77 : vector<256x3584xi32> -> vector<256x3584xf32>
      %reduce_max3A = arith.constant dense<0xFF800000> : vector<3584xf32>
      %reduce_max3A_79 = vector.multi_reduction <maximumf>, %bitcast_convert_type3A_78, %reduce_max3A [0] : vector<256x3584xf32> to vector<3584xf32>
      %broadcast_in_dim3A_80 = vector.shape_cast %reduce_max3A_79 : vector<3584xf32> to vector<1x3584xf32>
      %eq3A_81 = vector.broadcast %broadcast_in_dim3A_80 : vector<1x3584xf32> to vector<256x3584xf32>
      %eq3A_82 = arith.cmpf oeq, %bitcast_convert_type3A_78, %eq3A_81 : vector<256x3584xf32>
      %jit3A_83 = arith.constant 0.000000e+00 : f32
      %broadcast_in_dim3A_84 = vector.broadcast %jit3A_83 : f32 to vector<256x3584xf32>
      %select_n3A_85 = arith.select %eq3A_82, %broadcast_in_dim3A_84, %bitcast_convert_type3A_78 : vector<256x3584xi1>, vector<256x3584xf32>
      %reduce_max3A_86 = arith.constant dense<0xFF800000> : vector<3584xf32>
      %reduce_max3A_87 = vector.multi_reduction <maximumf>, %select_n3A_85, %reduce_max3A_86 [0] : vector<256x3584xf32> to vector<3584xf32>
      %broadcast_in_dim3A_88 = vector.shape_cast %reduce_max3A_87 : vector<3584xf32> to vector<1x3584xf32>
      %eq3A_89 = vector.broadcast %broadcast_in_dim3A_88 : vector<1x3584xf32> to vector<256x3584xf32>
      %eq3A_90 = arith.cmpf oeq, %select_n3A_85, %eq3A_89 : vector<256x3584xf32>
      %jit3A_91 = arith.constant 0.000000e+00 : f32
      %broadcast_in_dim3A_92 = vector.broadcast %jit3A_91 : f32 to vector<256x3584xf32>
      %select_n3A_93 = arith.select %eq3A_90, %broadcast_in_dim3A_92, %select_n3A_85 : vector<256x3584xi1>, vector<256x3584xf32>
      %reduce_max3A_94 = arith.constant dense<0xFF800000> : vector<3584xf32>
      %reduce_max3A_95 = vector.multi_reduction <maximumf>, %select_n3A_93, %reduce_max3A_94 [0] : vector<256x3584xf32> to vector<3584xf32>
      %broadcast_in_dim3A_96 = vector.shape_cast %reduce_max3A_95 : vector<3584xf32> to vector<1x3584xf32>
      %eq3A_97 = vector.broadcast %broadcast_in_dim3A_96 : vector<1x3584xf32> to vector<256x3584xf32>
      %eq3A_98 = arith.cmpf oeq, %select_n3A_93, %eq3A_97 : vector<256x3584xf32>
      %jit3A_99 = arith.constant 0.000000e+00 : f32
      %broadcast_in_dim3A_100 = vector.broadcast %jit3A_99 : f32 to vector<256x3584xf32>
      %select_n3A_101 = arith.select %eq3A_98, %broadcast_in_dim3A_100, %select_n3A_93 : vector<256x3584xi1>, vector<256x3584xf32>
      %reduce_max3A_102 = arith.constant dense<0xFF800000> : vector<3584xf32>
      %reduce_max3A_103 = vector.multi_reduction <maximumf>, %select_n3A_101, %reduce_max3A_102 [0] : vector<256x3584xf32> to vector<3584xf32>
      %broadcast_in_dim3A_104 = vector.shape_cast %reduce_max3A_103 : vector<3584xf32> to vector<1x3584xf32>
      %eq3A_105 = vector.broadcast %broadcast_in_dim3A_104 : vector<1x3584xf32> to vector<256x3584xf32>
      %eq3A_106 = arith.cmpf oeq, %select_n3A_101, %eq3A_105 : vector<256x3584xf32>
      %jit3A_107 = arith.constant 0.000000e+00 : f32
      %broadcast_in_dim3A_108 = vector.broadcast %jit3A_107 : f32 to vector<256x3584xf32>
      %select_n3A_109 = arith.select %eq3A_106, %broadcast_in_dim3A_108, %select_n3A_101 : vector<256x3584xi1>, vector<256x3584xf32>
      %reduce_max3A_110 = arith.constant dense<0xFF800000> : vector<3584xf32>
      %reduce_max3A_111 = vector.multi_reduction <maximumf>, %select_n3A_109, %reduce_max3A_110 [0] : vector<256x3584xf32> to vector<3584xf32>
      %broadcast_in_dim3A_112 = vector.shape_cast %reduce_max3A_111 : vector<3584xf32> to vector<1x3584xf32>
      %eq3A_113 = vector.broadcast %broadcast_in_dim3A_112 : vector<1x3584xf32> to vector<256x3584xf32>
      %eq3A_114 = arith.cmpf oeq, %select_n3A_109, %eq3A_113 : vector<256x3584xf32>
      %jit3A_115 = arith.constant 0.000000e+00 : f32
      %broadcast_in_dim3A_116 = vector.broadcast %jit3A_115 : f32 to vector<256x3584xf32>
      %select_n3A_117 = arith.select %eq3A_114, %broadcast_in_dim3A_116, %select_n3A_109 : vector<256x3584xi1>, vector<256x3584xf32>
      %reduce_max3A_118 = arith.constant dense<0xFF800000> : vector<3584xf32>
      %reduce_max3A_119 = vector.multi_reduction <maximumf>, %select_n3A_117, %reduce_max3A_118 [0] : vector<256x3584xf32> to vector<3584xf32>
      %broadcast_in_dim3A_120 = vector.shape_cast %reduce_max3A_119 : vector<3584xf32> to vector<1x3584xf32>
      %eq3A_121 = vector.broadcast %broadcast_in_dim3A_120 : vector<1x3584xf32> to vector<256x3584xf32>
      %eq3A_122 = arith.cmpf oeq, %select_n3A_117, %eq3A_121 : vector<256x3584xf32>
      %jit3A_123 = arith.constant 0.000000e+00 : f32
      %broadcast_in_dim3A_124 = vector.broadcast %jit3A_123 : f32 to vector<256x3584xf32>
      %select_n3A_125 = arith.select %eq3A_122, %broadcast_in_dim3A_124, %select_n3A_117 : vector<256x3584xi1>, vector<256x3584xf32>
      %reduce_max3A_126 = arith.constant dense<0xFF800000> : vector<3584xf32>
      %reduce_max3A_127 = vector.multi_reduction <maximumf>, %select_n3A_125, %reduce_max3A_126 [0] : vector<256x3584xf32> to vector<3584xf32>
      %broadcast_in_dim3A_128 = vector.shape_cast %reduce_max3A_127 : vector<3584xf32> to vector<1x3584xf32>
      %eq3A_129 = vector.broadcast %broadcast_in_dim3A_128 : vector<1x3584xf32> to vector<256x3584xf32>
      %eq3A_130 = arith.cmpf oeq, %select_n3A_125, %eq3A_129 : vector<256x3584xf32>
      %jit3A_131 = arith.constant 0.000000e+00 : f32
      %broadcast_in_dim3A_132 = vector.broadcast %jit3A_131 : f32 to vector<256x3584xf32>
      %select_n3A_133 = arith.select %eq3A_130, %broadcast_in_dim3A_132, %select_n3A_125 : vector<256x3584xi1>, vector<256x3584xf32>
      %reduce_max3A_134 = arith.constant dense<0xFF800000> : vector<3584xf32>
      %reduce_max3A_135 = vector.multi_reduction <maximumf>, %select_n3A_133, %reduce_max3A_134 [0] : vector<256x3584xf32> to vector<3584xf32>
      %broadcast_in_dim3A_136 = vector.shape_cast %reduce_max3A_135 : vector<3584xf32> to vector<1x3584xf32>
      %eq3A_137 = vector.broadcast %broadcast_in_dim3A_136 : vector<1x3584xf32> to vector<256x3584xf32>
      %eq3A_138 = arith.cmpf oeq, %select_n3A_133, %eq3A_137 : vector<256x3584xf32>
      %jit3A_139 = arith.constant 0.000000e+00 : f32
      %broadcast_in_dim3A_140 = vector.broadcast %jit3A_139 : f32 to vector<256x3584xf32>
      %select_n3A_141 = arith.select %eq3A_138, %broadcast_in_dim3A_140, %select_n3A_133 : vector<256x3584xi1>, vector<256x3584xf32>
      %eq3A_142 = arith.constant 0.000000e+00 : f32
      %eq3A_143 = vector.broadcast %eq3A_142 : f32 to vector<256x3584xf32>
      %eq3A_144 = arith.cmpf oeq, %select_n3A_141, %eq3A_143 : vector<256x3584xf32>
      %and3A_145 = arith.constant -256 : i32
      %and3A_146 = vector.broadcast %and3A_145 : i32 to vector<256x3584xi32>
      %and3A_147 = arith.andi %bitcast_convert_type3A, %and3A_146 : vector<256x3584xi32>
      %bitcast_convert_type3A_148 = tpu.bitcast %and3A_147 : vector<256x3584xi32> -> vector<256x3584xf32>
      %bitcast_convert_type3A_149 = tpu.bitcast %broadcast_in_dim3A_80 : vector<1x3584xf32> -> vector<1x3584xi32>
      %not3A_150 = arith.constant dense<-1> : vector<1x3584xi32>
      %not3A_151 = arith.xori %bitcast_convert_type3A_149, %not3A_150 : vector<1x3584xi32>
      %and3A_152 = arith.constant -256 : i32
      %and3A_153 = vector.broadcast %and3A_152 : i32 to vector<1x3584xi32>
      %and3A_154 = arith.andi %not3A_151, %and3A_153 : vector<1x3584xi32>
      %bitcast_convert_type3A_155 = tpu.bitcast %and3A_154 : vector<1x3584xi32> -> vector<1x3584xf32>
      %sub3A_156 = vector.broadcast %bitcast_convert_type3A_155 : vector<1x3584xf32> to vector<256x3584xf32>
      %sub3A_157 = arith.subf %bitcast_convert_type3A_148, %sub3A_156 : vector<256x3584xf32>
      %exp3A = math.exp %sub3A_157 : vector<256x3584xf32>
      %jit3A_158 = arith.constant 0.000000e+00 : f32
      %broadcast_in_dim3A_159 = vector.broadcast %jit3A_158 : f32 to vector<256x3584xf32>
      %select_n3A_160 = arith.select %eq3A_144, %exp3A, %broadcast_in_dim3A_159 : vector<256x3584xi1>, vector<256x3584xf32>
      %convert_element_type3A_161 = arith.truncf %select_n3A_160 : vector<256x3584xf32> to vector<256x3584xbf16>
      %convert_element_type3A_162 = arith.truncf %concatenate3A : vector<256x8xf32> to vector<256x8xbf16>
      %convert_element_type3A_163 = arith.extf %convert_element_type3A_162 : vector<256x8xbf16> to vector<256x8xf32>
      %sub3A_164 = arith.subf %concatenate3A, %convert_element_type3A_163 : vector<256x8xf32>
      %convert_element_type3A_165 = arith.truncf %sub3A_164 : vector<256x8xf32> to vector<256x8xbf16>
      %concatenate3A_166 = tpu.concatenate %convert_element_type3A_162, %convert_element_type3A_165 in 1 : vector<256x8xbf16>, vector<256x8xbf16> -> vector<256x16xbf16>
      %dot_general3A = arith.constant dense<0.000000e+00> : vector<3584x16xf32>
      %dot_general3A_167 = tpu.matmul %convert_element_type3A_161, %concatenate3A_166, %dot_general3A {dimension_numbers = #tpu.dot_dimension_numbers<[0], [0], [1], [1], [0, 1, 1, 1], [], []>, transpose_lhs_hint = false} : vector<256x3584xbf16>, vector<256x16xbf16>, vector<3584x16xf32> -> vector<3584x16xf32>
      %slice3A_168 = vector.extract_strided_slice %dot_general3A_167 {offsets = [0, 0], sizes = [3584, 8], strides = [1, 1]} : vector<3584x16xf32> to vector<3584x8xf32>
      %slice3A_169 = vector.extract_strided_slice %dot_general3A_167 {offsets = [0, 8], sizes = [3584, 8], strides = [1, 1]} : vector<3584x16xf32> to vector<3584x8xf32>
      %add3A_170 = arith.addf %slice3A_168, %slice3A_169 : vector<3584x8xf32>
      %slice3A_171 = vector.extract_strided_slice %add3A_170 {offsets = [0, 4], sizes = [3584, 1], strides = [1, 1]} : vector<3584x8xf32> to vector<3584x1xf32>
      %div3A_172 = vector.broadcast %slice3A_171 : vector<3584x1xf32> to vector<3584x8xf32>
      %div3A_173 = arith.divf %add3A_170, %div3A_172 : vector<3584x8xf32>
      %slice3A_174 = vector.extract_strided_slice %div3A_173 {offsets = [0, 0], sizes = [3584, 3], strides = [1, 1]} : vector<3584x8xf32> to vector<3584x3xf32>
      %swap3A = arith.constant 0 : index
      %swap3A_175 = arith.constant 0 : index
      %swap3A_176 = arith.constant 0 : index
      %swap3A_177 = arith.constant 0 : index
      %swap3A_178 = vector.load %arg9[%swap3A, %swap3A_175, %swap3A_176, %swap3A_177] : memref<1x1x3584x3xf32, #tpu.memory_space<vmem>>, vector<1x1x3584x3xf32>
      %swap3A_179 = vector.shape_cast %swap3A_178 : vector<1x1x3584x3xf32> to vector<3584x3xf32>
      %swap3A_180 = vector.shape_cast %slice3A_174 : vector<3584x3xf32> to vector<1x1x3584x3xf32>
      tpu.vector_store %arg9[%swap3A, %swap3A_175, %swap3A_176, %swap3A_177], %swap3A_180 {strides = array<i32>} : memref<1x1x3584x3xf32, #tpu.memory_space<vmem>>, vector<1x1x3584x3xf32>,
      %mul3A_181 = arith.mulf %get3A_19, %get3A_19 : vector<3584x3xf32>
      %reduce_sum3A_182 = arith.constant dense<0.000000e+00> : vector<3584xf32>
      %reduce_sum3A_183 = vector.multi_reduction <add>, %mul3A_181, %reduce_sum3A_182 [1] : vector<3584x3xf32> to vector<3584xf32>
      %broadcast_in_dim3A_184 = vector.shape_cast %reduce_sum3A_183 : vector<3584xf32> to vector<3584x1xf32>
      %mul3A_185 = arith.constant 0.333333343 : f32
      %mul3A_186 = vector.broadcast %mul3A_185 : f32 to vector<3584x1xf32>
      %mul3A_187 = arith.mulf %broadcast_in_dim3A_184, %mul3A_186 : vector<3584x1xf32>
      %mul3A_188 = arith.mulf %get3A_19, %slice3A_174 : vector<3584x3xf32>
      %reduce_sum3A_189 = arith.constant dense<0.000000e+00> : vector<3584xf32>
      %reduce_sum3A_190 = vector.multi_reduction <add>, %mul3A_188, %reduce_sum3A_189 [1] : vector<3584x3xf32> to vector<3584xf32>
      %broadcast_in_dim3A_191 = vector.shape_cast %reduce_sum3A_190 : vector<3584xf32> to vector<3584x1xf32>
      %mul3A_192 = arith.constant 0.666666686 : f32
      %mul3A_193 = vector.broadcast %mul3A_192 : f32 to vector<3584x1xf32>
      %mul3A_194 = arith.mulf %mul3A_193, %broadcast_in_dim3A_191 : vector<3584x1xf32>
      %sub3A_195 = arith.subf %mul3A_187, %mul3A_194 : vector<3584x1xf32>
      %slice3A_196 = vector.extract_strided_slice %div3A_173 {offsets = [0, 3], sizes = [3584, 1], strides = [1, 1]} : vector<3584x8xf32> to vector<3584x1xf32>
      %add3A_197 = arith.addf %sub3A_195, %slice3A_196 : vector<3584x1xf32>
      %sub3A_198 = arith.subf %slice3A_174, %get3A_19 : vector<3584x3xf32>
      %abs3A = math.absf %sub3A_198 : vector<3584x3xf32>
      %reduce_sum3A_199 = arith.constant dense<0.000000e+00> : vector<3584xf32>
      %reduce_sum3A_200 = vector.multi_reduction <add>, %abs3A, %reduce_sum3A_199 [1] : vector<3584x3xf32> to vector<3584xf32>
      %broadcast_in_dim3A_201 = vector.shape_cast %reduce_sum3A_200 : vector<3584xf32> to vector<3584x1xf32>
      %broadcast_in_dim3A_202 = arith.constant 0.000000e+00 : f32
      %broadcast_in_dim3A_203 = vector.broadcast %broadcast_in_dim3A_202 : f32 to vector<3584x6xf32>
      %concatenate3A_204 = tpu.concatenate %add3A_197, %broadcast_in_dim3A_201, %broadcast_in_dim3A_203 in 1 : vector<3584x1xf32>, vector<3584x1xf32>, vector<3584x6xf32> -> vector<3584x8xf32>
      %eq3A_205 = arith.constant 14 : i32
      %eq3A_206 = arith.cmpi eq, %arg1, %eq3A_205 : i32
      %convert_element_type3A_207 = arith.extui %eq3A_206 : i1 to i32
      %cond3A_208 = arith.constant 0 : i32
      %cond3A_209 = arith.cmpi ne, %convert_element_type3A_207, %cond3A_208 : i32
      scf.if %cond3A_209 {
        %swap3A_219 = arith.constant 0 : index
        %swap3A_220 = arith.constant 0 : index
        %swap3A_221 = arith.constant 0 : index
        %swap3A_222 = vector.load %arg10[%swap3A_219, %swap3A_220, %swap3A_221] : memref<1x3584x8xf32, #tpu.memory_space<vmem>>, vector<1x3584x8xf32>
        %swap3A_223 = vector.shape_cast %swap3A_222 : vector<1x3584x8xf32> to vector<3584x8xf32>
        %swap3A_224 = vector.shape_cast %concatenate3A_204 : vector<3584x8xf32> to vector<1x3584x8xf32>
        tpu.vector_store %arg10[%swap3A_219, %swap3A_220, %swap3A_221], %swap3A_224 {strides = array<i32>} : memref<1x3584x8xf32, #tpu.memory_space<vmem>>, vector<1x3584x8xf32>,
      } else {
      }
      %gt3A = arith.constant 14 : i32
      %gt3A_210 = arith.cmpi sgt, %arg1, %gt3A : i32
      %convert_element_type3A_211 = arith.extui %gt3A_210 : i1 to i32
      %cond3A_212 = arith.constant 0 : i32
      %cond3A_213 = arith.cmpi ne, %convert_element_type3A_211, %cond3A_212 : i32
      scf.if %cond3A_213 {
        %get3A_219 = arith.constant 0 : index
        %get3A_220 = arith.constant 0 : index
        %get3A_221 = arith.constant 0 : index
        %get3A_222 = vector.load %arg10[%get3A_219, %get3A_220, %get3A_221] : memref<1x3584x8xf32, #tpu.memory_space<vmem>>, vector<1x3584x8xf32>
        %get3A_223 = vector.shape_cast %get3A_222 : vector<1x3584x8xf32> to vector<3584x8xf32>
        %add3A_224 = arith.addf %get3A_223, %concatenate3A_204 : vector<3584x8xf32>
        %swap3A_225 = arith.constant 0 : index
        %swap3A_226 = arith.constant 0 : index
        %swap3A_227 = arith.constant 0 : index
        %swap3A_228 = vector.load %arg10[%swap3A_225, %swap3A_226, %swap3A_227] : memref<1x3584x8xf32, #tpu.memory_space<vmem>>, vector<1x3584x8xf32>
        %swap3A_229 = vector.shape_cast %swap3A_228 : vector<1x3584x8xf32> to vector<3584x8xf32>
        %swap3A_230 = vector.shape_cast %add3A_224 : vector<3584x8xf32> to vector<1x3584x8xf32>
        tpu.vector_store %arg10[%swap3A_225, %swap3A_226, %swap3A_227], %swap3A_230 {strides = array<i32>} : memref<1x3584x8xf32, #tpu.memory_space<vmem>>, vector<1x3584x8xf32>,
      } else {
      }
      %eq3A_214 = arith.constant 14 : i32
      %eq3A_215 = arith.cmpi eq, %arg1, %eq3A_214 : i32
      %convert_element_type3A_216 = arith.extui %eq3A_215 : i1 to i32
      %cond3A_217 = arith.constant 0 : i32
      %cond3A_218 = arith.cmpi ne, %convert_element_type3A_216, %cond3A_217 : i32
      scf.if %cond3A_218 {
        %get3A_219 = arith.constant 0 : index
        %get3A_220 = arith.constant 0 : index
        %get3A_221 = arith.constant 0 : index
        %get3A_222 = vector.load %arg5[%get3A_219, %get3A_220, %get3A_221] : memref<1x256x1xf32, #tpu.memory_space<vmem>>, vector<1x256x1xf32>
        %get3A_223 = vector.shape_cast %get3A_222 : vector<1x256x1xf32> to vector<256x1xf32>
        %mul3A_224 = arith.constant 2.000000e+01 : f32
        %mul3A_225 = vector.broadcast %mul3A_224 : f32 to vector<256x1xf32>
        %mul3A_226 = arith.mulf %mul3A_225, %slice3A : vector<256x1xf32>
        %mul3A_227 = arith.constant 2.000000e+01 : f32
        %mul3A_228 = vector.broadcast %mul3A_227 : f32 to vector<256x1xf32>
        %mul3A_229 = arith.mulf %mul3A_228, %slice3A_4 : vector<256x1xf32>
        %mul3A_230 = arith.constant 2.000000e+01 : f32
        %mul3A_231 = vector.broadcast %mul3A_230 : f32 to vector<256x1xf32>
        %mul3A_232 = arith.mulf %mul3A_231, %slice3A_5 : vector<256x1xf32>
        %mul3A_233 = arith.constant 2.000000e+01 : f32
        %mul3A_234 = vector.broadcast %mul3A_233 : f32 to vector<256x1xf32>
        %mul3A_235 = arith.mulf %mul3A_234, %slice3A_6 : vector<256x1xf32>
        %mul3A_236 = arith.constant 2.000000e+01 : f32
        %mul3A_237 = vector.broadcast %mul3A_236 : f32 to vector<256x1xf32>
        %mul3A_238 = arith.mulf %mul3A_237, %slice3A_7 : vector<256x1xf32>
        %mul3A_239 = arith.constant 2.000000e+01 : f32
        %mul3A_240 = vector.broadcast %mul3A_239 : f32 to vector<256x1xf32>
        %mul3A_241 = arith.mulf %mul3A_240, %slice3A_8 : vector<256x1xf32>
        %add3A_242 = arith.addf %mul3A_229, %mul3A_235 : vector<256x1xf32>
        %sub3A_243 = arith.subf %mul3A_232, %mul3A_226 : vector<256x1xf32>
        %mul3A_244 = arith.mulf %add3A_242, %sub3A_243 : vector<256x1xf32>
        %mul3A_245 = arith.constant 5.000000e-01 : f32
        %mul3A_246 = vector.broadcast %mul3A_245 : f32 to vector<256x1xf32>
        %mul3A_247 = arith.mulf %mul3A_244, %mul3A_246 : vector<256x1xf32>
        %add3A_248 = arith.addf %mul3A_235, %mul3A_241 : vector<256x1xf32>
        %sub3A_249 = arith.subf %mul3A_238, %mul3A_232 : vector<256x1xf32>
        %mul3A_250 = arith.mulf %add3A_248, %sub3A_249 : vector<256x1xf32>
        %mul3A_251 = arith.constant 5.000000e-01 : f32
        %mul3A_252 = vector.broadcast %mul3A_251 : f32 to vector<256x1xf32>
        %mul3A_253 = arith.mulf %mul3A_250, %mul3A_252 : vector<256x1xf32>
        %add3A_254 = arith.addf %mul3A_241, %mul3A_229 : vector<256x1xf32>
        %sub3A_255 = arith.subf %mul3A_226, %mul3A_238 : vector<256x1xf32>
        %mul3A_256 = arith.mulf %add3A_254, %sub3A_255 : vector<256x1xf32>
        %mul3A_257 = arith.constant 5.000000e-01 : f32
        %mul3A_258 = vector.broadcast %mul3A_257 : f32 to vector<256x1xf32>
        %mul3A_259 = arith.mulf %mul3A_256, %mul3A_258 : vector<256x1xf32>
        %add3A_260 = arith.addf %mul3A_247, %mul3A_253 : vector<256x1xf32>
        %add3A_261 = arith.addf %add3A_260, %mul3A_259 : vector<256x1xf32>
        %mul3A_262 = arith.mulf %add3A_261, %get3A_223 : vector<256x1xf32>
        %lt3A_263 = arith.constant 200 : i32
        %lt3A_264 = vector.broadcast %lt3A_263 : i32 to vector<256x1xi32>
        %lt3A_265 = arith.cmpi slt, %iota3A, %lt3A_264 : vector<256x1xi32>
        %jit3A_266 = arith.constant 0.000000e+00 : f32
        %broadcast_in_dim3A_267 = vector.broadcast %jit3A_266 : f32 to vector<256x1xf32>
        %select_n3A_268 = arith.select %lt3A_265, %mul3A_262, %broadcast_in_dim3A_267 : vector<256x1xi1>, vector<256x1xf32>
        %reduce_sum3A_269 = vector.shape_cast %select_n3A_268 : vector<256x1xf32> to vector<1x256x1xf32>
        %reduce_sum3A_270 = arith.constant dense<0.000000e+00> : vector<1xf32>
        %reduce_sum3A_271 = vector.multi_reduction <add>, %reduce_sum3A_269, %reduce_sum3A_270 [1, 2] : vector<1x256x1xf32> to vector<1xf32>
        %reduce_sum3A_272 = vector.shape_cast %reduce_sum3A_271 : vector<1xf32> to vector<1x1x1xf32>
        %reduce_sum3A_273 = vector.extract %reduce_sum3A_272[0, 0, 0] : f32 from vector<1x1x1xf32>
        %div3A_274 = arith.constant 2.000000e+02 : f32
        %div3A_275 = arith.divf %reduce_sum3A_273, %div3A_274 : f32
        %sub3A_276 = vector.broadcast %div3A_275 : f32 to vector<256x1xf32>
        %sub3A_277 = arith.subf %select_n3A_268, %sub3A_276 : vector<256x1xf32>
        %jit3A_278 = arith.constant 0.000000e+00 : f32
        %broadcast_in_dim3A_279 = vector.broadcast %jit3A_278 : f32 to vector<256x1xf32>
        %select_n3A_280 = arith.select %lt3A_265, %sub3A_277, %broadcast_in_dim3A_279 : vector<256x1xi1>, vector<256x1xf32>
        %mul3A_281 = arith.mulf %select_n3A_280, %select_n3A_280 : vector<256x1xf32>
        %reduce_sum3A_282 = vector.shape_cast %mul3A_281 : vector<256x1xf32> to vector<1x256x1xf32>
        %reduce_sum3A_283 = arith.constant dense<0.000000e+00> : vector<1xf32>
        %reduce_sum3A_284 = vector.multi_reduction <add>, %reduce_sum3A_282, %reduce_sum3A_283 [1, 2] : vector<1x256x1xf32> to vector<1xf32>
        %reduce_sum3A_285 = vector.shape_cast %reduce_sum3A_284 : vector<1xf32> to vector<1x1x1xf32>
        %reduce_sum3A_286 = vector.extract %reduce_sum3A_285[0, 0, 0] : f32 from vector<1x1x1xf32>
        %div3A_287 = arith.constant 1.990000e+02 : f32
        %div3A_288 = arith.divf %reduce_sum3A_286, %div3A_287 : f32
        %broadcast_in_dim3A_289 = vector.broadcast %div3A_288 : f32 to vector<1x1x1xf32>
        %swap3A_290 = arith.constant 0 : index
        %swap3A_291 = arith.constant 0 : index
        %swap3A_292 = arith.constant 0 : index
        %swap3A_293 = vector.load %arg11[%swap3A_290, %swap3A_291, %swap3A_292] : memref<1x1x1xf32, #tpu.memory_space<vmem>>, vector<1x1x1xf32>
        tpu.vector_store %arg11[%swap3A_290, %swap3A_291, %swap3A_292], %broadcast_in_dim3A_289 {strides = array<i32>} : memref<1x1x1xf32, #tpu.memory_space<vmem>>, vector<1x1x1xf32>,
      } else {
      }
    } else {
    }
    return
  }
  func.func @transform_0(%arg0: i32, %arg1: i32) -> i32 {
    %c0_i32 = arith.constant 0 : i32
    %c0_i32_0 = arith.constant 0 : i32
    return %c0_i32 : i32
  }
  func.func @transform_1(%arg0: i32, %arg1: i32) -> (i32, i32, i32) {
    %c0_i32 = arith.constant 0 : i32
    %c0_i32_0 = arith.constant 0 : i32
    %c0_i32_1 = arith.constant 0 : i32
    return %arg0, %c0_i32, %c0_i32_0 : i32, i32, i32
  }
  func.func @transform_2(%arg0: i32, %arg1: i32) -> (i32, i32, i32) {
    %c0_i32 = arith.constant 0 : i32
    %c0_i32_0 = arith.constant 0 : i32
    %c0_i32_1 = arith.constant 0 : i32
    return %arg0, %c0_i32, %c0_i32_0 : i32, i32, i32
  }
  func.func @transform_3(%arg0: i32, %arg1: i32) -> (i32, i32, i32) {
    %c0_i32 = arith.constant 0 : i32
    %c0_i32_0 = arith.constant 0 : i32
    %c0_i32_1 = arith.constant 0 : i32
    return %arg0, %c0_i32, %c0_i32_0 : i32, i32, i32
  }
  func.func @transform_4(%arg0: i32, %arg1: i32) -> (i32, i32) {
    %jit3A = arith.constant 14 : i32
    %eq3A = arith.constant 0 : i32
    %eq3A_0 = arith.cmpi eq, %jit3A, %eq3A : i32
    %jit3A_1 = arith.constant 1 : i32
    %select_n3A = arith.select %eq3A_0, %jit3A_1, %jit3A : i32
    %rem3A = arith.remsi %arg1, %select_n3A : i32
    %ne3A = arith.constant 0 : i32
    %ne3A_2 = arith.cmpi ne, %rem3A, %ne3A : i32
    %lt3A = arith.constant 0 : i32
    %lt3A_3 = arith.cmpi slt, %rem3A, %lt3A : i32
    %lt3A_4 = arith.constant 0 : i32
    %lt3A_5 = arith.cmpi slt, %select_n3A, %lt3A_4 : i32
    %ne3A_6 = arith.xori %lt3A_3, %lt3A_5 : i1
    %and3A = arith.andi %ne3A_6, %ne3A_2 : i1
    %add3A = arith.addi %rem3A, %select_n3A : i32
    %select_n3A_7 = arith.select %and3A, %add3A, %rem3A : i32
    %c0_i32 = arith.constant 0 : i32
    %c0_i32_8 = arith.constant 0 : i32
    return %c0_i32, %select_n3A_7 : i32, i32
  }
  func.func @transform_5(%arg0: i32, %arg1: i32) -> (i32, i32, i32) {
    %jit3A = arith.constant 14 : i32
    %eq3A = arith.constant 0 : i32
    %eq3A_0 = arith.cmpi eq, %jit3A, %eq3A : i32
    %jit3A_1 = arith.constant 1 : i32
    %select_n3A = arith.select %eq3A_0, %jit3A_1, %jit3A : i32
    %rem3A = arith.remsi %arg1, %select_n3A : i32
    %ne3A = arith.constant 0 : i32
    %ne3A_2 = arith.cmpi ne, %rem3A, %ne3A : i32
    %lt3A = arith.constant 0 : i32
    %lt3A_3 = arith.cmpi slt, %rem3A, %lt3A : i32
    %lt3A_4 = arith.constant 0 : i32
    %lt3A_5 = arith.cmpi slt, %select_n3A, %lt3A_4 : i32
    %ne3A_6 = arith.xori %lt3A_3, %lt3A_5 : i1
    %and3A = arith.andi %ne3A_6, %ne3A_2 : i1
    %add3A = arith.addi %rem3A, %select_n3A : i32
    %select_n3A_7 = arith.select %and3A, %add3A, %rem3A : i32
    %c0_i32 = arith.constant 0 : i32
    %c0_i32_8 = arith.constant 0 : i32
    return %arg0, %select_n3A_7, %c0_i32 : i32, i32, i32
  }
  func.func @transform_6(%arg0: i32, %arg1: i32) -> (i32, i32, i32, i32) {
    %min3A = arith.constant 14 : i32
    %min3A_0 = arith.minsi %arg1, %min3A : i32
    %c0_i32 = arith.constant 0 : i32
    %c0_i32_1 = arith.constant 0 : i32
    %c0_i32_2 = arith.constant 0 : i32
    return %arg0, %min3A_0, %c0_i32, %c0_i32_1 : i32, i32, i32, i32
  }
  func.func @transform_7(%arg0: i32, %arg1: i32) -> (i32, i32, i32, i32) {
    %lt3A = arith.constant 14 : i32
    %lt3A_0 = arith.cmpi slt, %arg1, %lt3A : i32
    %sub3A = arith.constant 14 : i32
    %sub3A_1 = arith.subi %arg1, %sub3A : i32
    %jit3A = arith.constant 14 : i32
    %select_n3A = arith.select %lt3A_0, %jit3A, %sub3A_1 : i32
    %c0_i32 = arith.constant 0 : i32
    %c0_i32_2 = arith.constant 0 : i32
    %c0_i32_3 = arith.constant 0 : i32
    return %arg0, %select_n3A, %c0_i32, %c0_i32_2 : i32, i32, i32, i32
  }
  func.func @transform_8(%arg0: i32, %arg1: i32) -> (i32, i32, i32) {
    %c0_i32 = arith.constant 0 : i32
    %c0_i32_0 = arith.constant 0 : i32
    %c0_i32_1 = arith.constant 0 : i32
    return %arg0, %c0_i32, %c0_i32_0 : i32, i32, i32
  }
  func.func @transform_9(%arg0: i32, %arg1: i32) -> (i32, i32, i32) {
    %c0_i32 = arith.constant 0 : i32
    %c0_i32_0 = arith.constant 0 : i32
    %c0_i32_1 = arith.constant 0 : i32
    return %arg0, %c0_i32, %c0_i32_0 : i32, i32, i32
  }
}

</mosaic_0001>

<sc_bundles>
// kernel: kernel.4.cloned.1.call-start
scs
__scs_entry_jumppad:
0x0: {  	(pc) =	sbr.rel $0x88, $3  }
0x1: {  	(tag) =	ssettag $0x0;
	lr =	simm.s32 $0x1  }
0x2: {  	[smem:$0x3F9B] =	sst lr;
	_ =	strace $0xD0000000  }
0x3: {  	_ = 	snop  }
0x4: {  	_ = 	snop  }
0x5: {  	_ = 	snop  }
0x6: {  	_ = 	snop  }
0x7: {  	_ = 	snop  }
__scs_overlays_trampoline_lowered:
0x8: {  	[smem:$0x3FAA] =	sst s0  }
0x9: {  	[smem:$0x3FAB] =	sst s1  }
0xa: {  	[smem:$0x3FAC] =	sst s2  }
0xb: {  	[smem:$0x3FAD] =	sst s3  }
0xc: {  	[smem:$0x3FAE] =	sst s4  }
0xd: {  	[smem:$0x3FAF] =	sst s5  }
0xe: {  	[smem:$0x3FB0] =	sst s6  }
0xf: {  	[smem:$0x3FB1] =	sst s7  }
0x10: {  	[smem:$0x3FB2] =	sst s8  }
0x11: {  	[smem:$0x3FB3] =	sst s9;
	s0 =	simm.s32 @!p0 $0x0  }
0x12: {  	s1 =	sld [smem:$0x3F99];
	s0 =	simm.s32 @p0 $0x1  }
0x13: {  	[smem:$0x3FB4] =	sst s0;
	s0 =	simm.s32 @!p1 $0x0  }
0x14: {  	s2 =	sld [smem:$0x3F98];
	s0 =	simm.s32 @p1 $0x1  }
0x15: {  	[smem:$0x3FB5] =	sst s0;
	s0 =	simm.s32 @!p2 $0x0  }
0x16: {  	s3 =	sld [smem:$0x3FDB];
	s0 =	simm.s32 @p2 $0x1  }
0x17: {  	s4 =	simm.s32 $0x1BF5;
	[smem:$0x3FB7] =	sst s0  }
0x18: {  	s0 =	sld [smem:$0x3F9A];
	_ =	swait.ge [sflag:s4], $0x0  }
0x19: {  	s7 =	sld [smem:$0x3F9B]  }
0x1a: {  	s8 =	sadd.s32 $0xFFFFE003, lr  }
0x1b: {  	s9 =	sadd.s32 $0xFFFFFEF7, lr;
	s5 =	simm.s32 $0xFFFFFFFF;
	p2 =	slt.u32 s8, $0xFFFFF086  }
0x1c: {  	p1 =	slt.u32 s9, $0xF7A;
	s5 =	simm.s32 @!p2 $0x0  }
0x1d: {  	s5 =	simm.s32 @p1 $0x1;
	p0 =	seq.s32 s7, s2  }
0x1e: {  	s7 =	smul.u32 @!p0 $0xF7A, s2;
	p2 =	seq.s32 @!p0 s5, $0x0  }
0x1f: {  	s9 =	smul.u32 $0xF7A, s1;
	s8 =	simm.s32 @!p0 $0x1BF5;
	p2 =	por !p2, p0  }
0x20: {  	[sflag:s8] =	ssyncset.s32 @!p0 $0xFFFFF086;
	s6 =	sadd.s32 @!p0 s3, s7;
	s7 =	simm.s32 @!p0 $0x108  }
0x21: {  	s3 =	sadd.s32 s3, s9;
	s6 =	sadd.s32 @!p0 $0x88, s6;
	s7 =	simm.s32 @p2 $0x1082  }
0x22: {  	[simem:s7], [sflag:s8] =	dma.local @!p0 [hbm:s6], $0xF7A  }
0x23: {  	s9 =	sor.u32 $0xD0000000, s2;
	s6 =	simm.s32 $0x108;
	_ =	swait.ge @!p0 [sflag:s8], $0x0  }
0x24: {  	s3 =	sadd.s32 $0x88, s3;
	s6 =	simm.s32 @!p1 $0x1082;
	[sflag:s4] =	ssyncset.s32 $0xFFFFF086  }
0x25: {  	[simem:s6], [sflag:s4] =	dma.local [hbm:s3], $0xF7A  }
0x26: {  	[smem:$0x3F9B] =	sst s1;
	(tag) =	ssettag s2;
	_ =	strace s9  }
0x27: {  	s1 =	sld [smem:$0x3FAB]  }
0x28: {  	s2 =	sld [smem:$0x3FAC]  }
0x29: {  	s4 =	sld [smem:$0x3FAE]  }
0x2a: {  	p0 =	seq.s32 s5, $0x0;
	s5 =	sld [smem:$0x3FAF]  }
0x2b: {  	s6 =	sld [smem:$0x3FB0]  }
0x2c: {  	s7 =	sld [smem:$0x3FB1]  }
0x2d: {  	s3 =	simm.s32 $0x108;
	s8 =	sld [smem:$0x3FB2]  }
0x2e: {  	s3 =	simm.s32 @!p0 $0x1082;
	s9 =	sld [smem:$0x3FB3]  }
0x2f: {  	lr =	sadd.s32 s0, s3;
	s0 =	sld [smem:$0x3FAA]  }
0x30: {  	s3 =	sld [smem:$0x3FAD]  }
0x31: {  	[smem:$0x3FB6] =	sst s10  }
0x32: {  	s10 =	sld [smem:$0x3FB4];
	_ =	sdelay $0x3  }
0x33: {  	p0 =	seq.s32 s10, $0x1;
	s10 =	sld [smem:$0x3FB6];
	_ =	sdelay $0x3  }
0x34: {  	[smem:$0x3FB6] =	sst s10  }
0x35: {  	s10 =	sld [smem:$0x3FB5];
	_ =	sdelay $0x3  }
0x36: {  	p1 =	seq.s32 s10, $0x1;
	s10 =	sld [smem:$0x3FB6];
	_ =	sdelay $0x3  }
0x37: {  	[smem:$0x3FB6] =	sst s10  }
0x38: {  	s10 =	sld [smem:$0x3FB7]  }
0x39: {  	_ = 	snop;
	(pc) =	sbr.ind lr, $3  }
0x3a: {  	_ = 	snop  }
0x3b: {  	_ = 	snop  }
0x3c: {  	p2 =	seq.s32 s10, $0x1;
	s10 =	sld [smem:$0x3FB6]  }
0x3d: {  	_ =	shalt  }
0x3e: {  	_ =	shalt  }
0x3f: {  	_ =	shalt  }
0x40: {  	_ =	shalt  }
0x41: {  	_ =	shalt  }
0x42: {  	_ =	shalt  }
0x43: {  	_ =	shalt  }
0x44: {  	_ =	shalt  }
0x45: {  	_ =	shalt  }
0x46: {  	_ =	shalt  }
0x47: {  	_ =	shalt  }
0x48: {  	_ =	shalt  }
0x49: {  	_ =	shalt  }
0x4a: {  	_ =	shalt  }
0x4b: {  	_ =	shalt  }
0x4c: {  	_ =	shalt  }
0x4d: {  	_ =	shalt  }
0x4e: {  	_ =	shalt  }
0x4f: {  	_ =	shalt  }
0x50: {  	_ =	shalt  }
0x51: {  	_ =	shalt  }
0x52: {  	_ =	shalt  }
0x53: {  	_ =	shalt  }
0x54: {  	_ =	shalt  }
0x55: {  	_ =	shalt  }
0x56: {  	_ =	shalt  }
0x57: {  	_ =	shalt  }
0x58: {  	_ =	shalt  }
0x59: {  	_ =	shalt  }
0x5a: {  	_ =	shalt  }
0x5b: {  	_ =	shalt  }
0x5c: {  	_ =	shalt  }
0x5d: {  	_ =	shalt  }
0x5e: {  	_ =	shalt  }
0x5f: {  	_ =	shalt  }
0x60: {  	_ =	shalt  }
0x61: {  	_ =	shalt  }
0x62: {  	_ =	shalt  }
0x63: {  	_ =	shalt  }
0x64: {  	_ =	shalt  }
0x65: {  	_ =	shalt  }
0x66: {  	_ =	shalt  }
0x67: {  	_ =	shalt  }
0x68: {  	_ =	shalt  }
0x69: {  	_ =	shalt  }
0x6a: {  	_ =	shalt  }
0x6b: {  	_ =	shalt  }
0x6c: {  	_ =	shalt  }
0x6d: {  	_ =	shalt  }
0x6e: {  	_ =	shalt  }
0x6f: {  	_ =	shalt  }
0x70: {  	_ =	shalt  }
0x71: {  	_ =	shalt  }
0x72: {  	_ =	shalt  }
0x73: {  	_ =	shalt  }
0x74: {  	_ =	shalt  }
0x75: {  	_ =	shalt  }
0x76: {  	_ =	shalt  }
0x77: {  	_ =	shalt  }
0x78: {  	_ =	shalt  }
0x79: {  	_ =	shalt  }
0x7a: {  	_ =	shalt  }
0x7b: {  	_ =	shalt  }
0x7c: {  	_ =	shalt  }
0x7d: {  	_ =	shalt  }
0x7e: {  	_ =	shalt  }
0x7f: {  	_ =	shalt  }
0x80: {  	_ =	shalt  }
0x81: {  	_ =	shalt  }
0x82: {  	_ =	shalt  }
0x83: {  	_ =	shalt  }
0x84: {  	_ =	shalt  }
0x85: {  	_ =	shalt  }
0x86: {  	_ =	shalt  }
0x87: {  	_ =	shalt  }
.Lfunc_end0:
.L_simem_size_0:
called_computation_lowered:
.L_overlay_start_0:
0x88: {  	s2 =	sld [smem:$0x3FD9]  }
0x89: {  	s3 =	sld [smem:$0x3FFE];
	_ =	sdelay $0x1  }
0x8a: {  	s1 =	srdreg.scid  }
0x8b: {  	s0 =	sand.u32 $0x1, s1  }
0x8c: {  	s14 =	sshll.u32 s0, $0xA;
	s2 =	sadd.s32 s3, s2  }
0x8d: {  	s2 =	sadd.s32 s2, s14  }
0x8e: {  	[smem:$0x3FC2] =	sst s2  }
0x8f: {  	_ = 	snop  }
0x90: {  	s2 =	sld [smem:$0x3FD0];
	_ =	sdelay $0x2  }
0x91: {  	s15 =	simm.s32 $0xA;
	s4 =	simm.s32 $0x10  }
0x92: {  	[smem:s4], [sflag:s15] =	dma.local [hbm:s2], $0x1  }
0x93: {  	_ =	swait.eq [sflag:s15], $0x1  }
0x94: {  	[sflag:s15] =	ssyncset.done $0x0  }
0x95: {  	[sflag:s15] =	ssyncadd.s32 $0xFFFFFFFF  }
0x96: {  	s16 =	sld [smem:$0x11];
	(tm) =	ssettm $0x1  }
0x97: {  	s17 =	sld [smem:$0x3FFB];
	_ =	sdelay $0x3  }
0x98: {  	_ =	strace s17  }
0x99: {  	s3 =	sld [smem:$0x3FFC];
	_ =	sdelay $0x3  }
0x9a: {  	_ =	strace s3  }
0x9b: {  	s3 =	sld [smem:$0x3FFD];
	_ =	sdelay $0x3  }
0x9c: {  	_ =	strace s3  }
0x9d: {  	_ =	strace $0x8FFFFFFF  }
0x9e: {  	s18 =	sld [smem:$0x3FDB];
	_ =	sdelay $0x1  }
0x9f: {  	s19 =	simm.s32 $_scs_section_size  }
0xa0: {  	s5 =	simm.s32 $_size__tile_overlayer_lowered;
	s6 =	simm.s32 $_tile_overlayer_lowered  }
0xa1: {  	s22 =	simm.s32 $0x1BFF;
	s21 =	sshll.u32 s6, $0x1;
	s3 =	sadd.s32 s19, s18  }
0xa2: {  	s7 =	simm.s32 $0x0;
	s20 =	sshll.u32 s5, $0x1;
	s5 =	sadd.s32 s21, s3  }
0xa3: {  	[timem:s7], [sflag:s22] =	dma.local [hbm:s5], s20  }
0xa4: {  	_ =	swait.ge [sflag:s22], s20  }
0xa5: {  	s4 =	ssub.s32 $0x0, s20;
	[sflag:s22] =	ssyncset.done $0x0  }
0xa6: {  	[sflag:s22] =	ssyncadd.s32 s4;
	_ =	sdelay $0x1  }
0xa7: {  	s23 =	simm.s32 $0x1B8B  }
0xa8: {  	_ =	swait.ge [sflag:s23], $0x1  }
0xa9: {  	[sflag:s23] =	ssyncset.done $0x0  }
0xaa: {  	s25 =	simm.s32 $0x1B8E;
	s24 =	sld [smem:$0x3FFE];
	[sflag:s23] =	ssyncadd.s32 $0xFFFFFFFF  }
0xab: {  	s26 =	simm.s32 $execute0_lowered;
	[smem:$0x3FD2] =	sst s25  }
0xac: {  	s5 =	sshll.u32 s26, $0x1;
	_ =	strace $0x80000046;
	[dreg:$0x1] =	wrdreg $0xFFFFFFFF  }
0xad: {  	s28 =	simm.s32 $_size_execute0_lowered;
	s3 =	sadd.s32 s3, s5;
	[dreg:$0x0] =	wrdreg $0x0  }
0xae: {  	s5 =	sshll.u32 s28, $0x1;
	[dreg:$0x2] =	wrdreg s3  }
0xaf: {  	[dreg:$0x3] =	wrdreg s5  }
0xb0: {  	[dreg:$0x4] =	wrdreg $0xC0  }
0xb1: {  	_ =	task [dreg:s7], $0x5FFFF  }
0xb2: {  	[dreg:$0x1] =	wrdreg $0xFFFFFFFF  }
0xb3: {  	[dreg:$0x0] =	wrdreg $0x60  }
0xb4: {  	[dreg:$0x2] =	wrdreg s24  }
0xb5: {  	[dreg:$0x3] =	wrdreg s16  }
0xb6: {  	[dreg:$0x4] =	wrdreg $0x9  }
0xb7: {  	_ =	task.clear_ibuf [dreg:s7], $0x5FFFF;
	_ =	strace $0x90000046  }
0xb8: {  	s29 =	simm.s32 $0x9;
	_ =	strace $0x80000048  }
0xb9: {  	_ =	swait.ge [sflag:s29], $0x1  }
0xba: {  	[sflag:s29] =	ssyncadd.s32 $0xFFFFFFFF  }
0xbb: {  	_ =	strace $0x90000048  }
0xbc: {  	_ =	sfence  }
0xbd: {  	s30 =	sld [smem:$0x0];
	_ =	sdelay $0x2  }
0xbe: {  	s31 =	sshll.u32 s1, $0xD;
	s1 =	sshrl.u32 s1, $0x2  }
0xbf: {  	s3 =	sand.u32 $0x4000, s31;
	s1 =	sadd.s32 s1, s30  }
0xc0: {  	s0 =	sor.u32 s3, s0;
	s1 =	sshll.u32 s1, $0x11  }
0xc1: {  	s0 =	sor.u32 s1, s0  }
0xc2: {  	s0 =	sadd.s32 $0x8F2B, s0  }
0xc3: {  	[sflag:s0] =	ssyncadd.remote.s32 $0x1  }
0xc4: {  	_ =	sfence.sel $0xFFFF  }
0xc5: {  	[dreg:$0x0] =	wrdreg $0xFFFFFFFF;
	(pc) =	sbr.abs _section_cstart, $3  }
0xc6: {  	[dreg:$0x1] =	wrdreg $0xFFFFFFFF  }
0xc7: {  	_ =	task.clear_ibuf [dreg:s7], $0x2FFFF;
	_ =	strace $0x9FFFFFFF  }
0xc8: {  	(tm) =	ssettm $0x7FFFFFFF  }
0xc9: {  	_ =	shalt  }
tec
execute0_lowered:
.L_overlay_start_1:
0x0: {  	(tag) =	ssettag $0x1  }
0x1: {  	s1 =	srdreg.scid  }
0x2: {  	s0 =	stileid.u32;
	s9 =	rddreg [dreg:$0x0]  }
0x3: {  	s3 =	rddreg [dreg:$0x1];
	s6 =	sand.u32 $0x1, s1;
	s30 =	sshll.u32 s0, $0x1  }
0x4: {  	s2 =	simm.s32 $0x0;
	s1 =	rddreg [dreg:$0x2];
	s7 =	sor.u32 s6, s30  }
0x5: {  	s8 =	simm.s32 $0x1;
	[smem:$0x7FF] =	sst s2;
	s4 =	smul.u32 $0xA, s7  }
0x6: {  	s5 =	sadd.s32 $0x600, s9;
	_ =	strace $0x80000047;
	s11 =	ssub.s32 $0x2, s6  }
0x7: {  	s6 =	simm.s32 $0x50;
	s4 =	sadd.s32 s3, s4;
	s3 =	simm.s32 $0x2  }
0x8: {  	[tilespmem:s2], [sflag:$0x2] =	stream.linear.gather [hbm4b:s4+s2], $0x50, $0x38;
	[tilespmem:$0x2880] =	vst v63  }
0x9: {  	s10 =	smul.u32 $0x500, s7;
	s12 =	sshrl.u32 s11, $0x1;
	_ =	swait.ge [sflag:s3], $0x50  }
0xa: {  	s7 =	simm.s32 $0x80;
	s31 =	ssub.s32 s11, s12;
	[sflag:s3] =	ssyncset.done $0x0  }
0xb: {  	s9 =	sadd.s32 s10, s9;
	s10 =	smax.u32 s31, $0x1;
	[sflag:s3] =	ssyncadd.s32 $0xFFFFFFB0  }
0xc: {  	[tilespmem:s7], [sflag:$0x1] =	stream.indirect.gather [hbm4b:s5+s6], $0x80, s2, s6, $0xb8;
	[tilespmem:$0x2880] =	vst v63  }
0xd: {  	p0 =	sne.s32 s10, $0x1;
	_ =	swait.ge [sflag:s8], $0x2800  }
.Ltmp0:
0xe: {  	[sflag:s8] =	ssyncset.done $0x0;
	(pc) =	sbr.rel @!p0 .LBB2_2-.Ltmp0, $4  }
0xf: {  	s9 =	sadd.s32 $0x2600, s9;
	[sflag:s8] =	ssyncadd.s32 $0xFFFFD800  }
0x10: {  	[hbm4b:s9+s2] =	stream.linear.scatter [tilespmem:s7], [sflag:$0x2], $0x2800, $0x38;
	[tilespmem:$0x2880] =	vst v63  }
0x11: {  	_ =	swait.ge [sflag:s3], $0x2800  }
0x12: {  	s10 =	sadd.s32 $0xFFFFFFFF, s10;
	[sflag:s3] =	ssyncset.done $0x0  }
.LBB2_1:
0x13: {  	p0 =	sne.s32 s10, $0x1;
	s10 =	sadd.s32 $0xFFFFFFFF, s10;
	[sflag:s3] =	ssyncadd.s32 $0xFFFFD800  }
0x14: {  	[tilespmem:s2], [sflag:$0x2] =	stream.linear.gather [hbm4b:s4+s2], $0x50, $0x38;
	[tilespmem:$0x2880] =	vst v63  }
0x15: {  	_ =	swait.ge [sflag:s3], $0x50  }
0x16: {  	[sflag:s3] =	ssyncset.done $0x0  }
0x17: {  	[sflag:s3] =	ssyncadd.s32 $0xFFFFFFB0  }
0x18: {  	[tilespmem:s7], [sflag:$0x1] =	stream.indirect.gather [hbm4b:s5+s6], $0x80, s2, s6, $0xb8;
	[tilespmem:$0x2880] =	vst v63  }
0x19: {  	_ =	swait.ge [sflag:s8], $0x2800  }
.Ltmp1:
0x1a: {  	[sflag:s8] =	ssyncset.done $0x0;
	(pc) =	sbr.rel @p0 .LBB2_1-.Ltmp1, $4  }
0x1b: {  	[sflag:s8] =	ssyncadd.s32 $0xFFFFD800  }
0x1c: {  	[hbm4b:s9+s2] =	stream.linear.scatter [tilespmem:s7], [sflag:$0x2], $0x2800, $0x38;
	[tilespmem:$0x2880] =	vst v63  }
0x1d: {  	_ =	swait.ge [sflag:s3], $0x2800  }
0x1e: {  	[sflag:s3] =	ssyncset.done $0x0  }
.LBB2_2:
0x1f: {  	[sflag:s3] =	ssyncadd.s32 $0xFFFFD800  }
0x20: {  	_ =	sfence.sel $0x180000  }
0x21: {  	[bflag:$0x0] =	sbarrier.arrive $0xFFFF  }
0x22: {  	p0 =	sne.s32 s0, $0x0;
	_ =	strace $0x90000047  }
0x23: {  	s0 =	sadd.s32 @!p0 $0x100000, s1;
	[bflag:$0x2] =	sbarrier.arrive $0xFFFF  }
0x24: {  	[sflag:s0] =	ssyncadd.tile.s32 @!p0 $0x1;
	_ =	shalt  }
.Lfunc_end2:
_tile_overlayer_lowered:
.L_overlay_start_2:
0x25: {  	(tag) =	ssettag $0x2  }
0x26: {  	s0 =	rddreg [dreg:$0x0];
	s2 =	stileid.u32  }
0x27: {  	s1 =	rddreg [dreg:$0x1];
	p0 =	sne.s32 s2, $0x0  }
0x28: {  	s3 =	rddreg [dreg:$0x2];
	[bflag:$0x3] =	sbarrier.arrive $0xFFFF;
	s2 =	simm.s32 @!p0 $0x1C02  }
0x29: {  	[timem:s3], [sflag:s2] =	dma.local @!p0 [hbm:s0], s1  }
0x2a: {  	s0 =	simm.s32 @!p0 $0x2  }
0x2b: {  	_ =	swait.ge @!p0 [sflag:s0], s1  }
0x2c: {  	s1 =	ssub.s32 @!p0 $0x0, s1;
	[sflag:s0] =	ssyncset.done @!p0 $0x0  }
0x2d: {  	[sflag:s0] =	ssyncadd.s32 @!p0 s1  }
0x2e: {  	[bflag:$0x3] =	sbarrier.arrive $0xFFFF  }
0x2f: {  	_ =	shalt  }

</sc_bundles>
